<compile_context>
chip_gen: v7x
topology: tpu7x:2x2x1
jax: 0.10.2.dev20260603
libtpu: 0.0.44.dev20260713+nightly
codegen_flags: <defaults>
</compile_context>

<pallas_src>
import functools

import jax
import jax.numpy as jnp
from jax import lax
from jax.experimental import pallas as pl
from jax.experimental.pallas import tpu as pltpu
from jax.experimental.pallas import tpu_sc as plsc

N_NODES = 10000
N_EDGES = 320000
D = 128

NC = 2
NS = 16
NW = NC * NS

B = 80
BLK_BYTES = B * D * 4

B2 = 80
EPW = N_EDGES // NW
NB2 = EPW // B2
NBP2 = 128

N_PAD = 10240
RPT = N_PAD // NS
RC = 128
NRC = RPT // RC

_mesh = plsc.VectorSubcoreMesh(core_axis_name="c", subcore_axis_name="s")


@functools.partial(
    pl.kernel,
    out_type=jax.ShapeDtypeStruct((NC, N_PAD, D), jnp.float32),
    mesh=_mesh,
    scratch_types=[
        pltpu.VMEM((NBP2, B), jnp.int32),
        pltpu.VMEM((B, D), jnp.float32),
        pltpu.VMEM((B, D), jnp.float32),
        pltpu.VMEM_SHARED((N_PAD, D), jnp.float32),
        pltpu.SemaphoreType.DMA,
        pltpu.SemaphoreType.DMA,
    ],
)
def _phase1(idx2_hbm, x_hbm, extra_hbm, part_hbm,
            idx_v, x_v0, x_v1, table, sx0, sx1):
    c = lax.axis_index("c")
    s = lax.axis_index("s")
    wid = s * NC + c
    xv = (x_v0, x_v1)
    sx = (sx0, sx1)

    ro = s * RPT
    pltpu.sync_copy(extra_hbm.at[pl.ds(ro, RPT)], table.at[pl.ds(ro, RPT)])
    plsc.subcore_barrier()

    pltpu.sync_copy(idx2_hbm.at[pl.ds(wid * NBP2, NBP2)], idx_v)

    def xsrc(b):
        return x_hbm.at[pl.ds(wid * EPW + b * B, B)]

    pltpu.async_copy(xsrc(0), xv[0], sx[0])

    def pair(k, carry):
        for boff, p in ((0, 0), (1, 1)):
            b = 2 * k + boff
            q = 1 - p
            pltpu.make_async_copy(xsrc(b), xv[p], sx[p]).wait()
            pltpu.async_copy(xv[p], table.at[idx_v.at[b]], sx[p], add=True)

            @pl.when(b + 1 < NB2)
            def _():
                @pl.when(b > 0)
                def _():
                    pltpu.make_async_copy(xsrc(b), xv[q], sx[q]).wait()
                pltpu.async_copy(xsrc(b + 1), xv[q], sx[q])
        return carry

    lax.fori_loop(0, NB2 // 2, pair, 0)
    pltpu.make_async_copy(xsrc(0), xv[0], sx[0]).wait()
    pltpu.sync_copy(xv[0], table.at[idx_v.at[NB2 - 1]], add=True)
    pltpu.make_async_copy(xsrc(0), xv[1], sx[1]).wait()
    plsc.subcore_barrier()

    pltpu.sync_copy(table.at[pl.ds(ro, RPT)],
                    part_hbm.at[c].at[pl.ds(ro, RPT)])


MR = N_PAD // NW // 2


@functools.partial(
    pl.kernel,
    out_type=jax.ShapeDtypeStruct((N_PAD, D), jnp.float32),
    mesh=_mesh,
    scratch_types=[
        pltpu.VMEM((MR, D), jnp.float32),
        pltpu.VMEM((MR, D), jnp.float32),
        pltpu.VMEM((MR, D), jnp.float32),
    ],
)
def _merge(part_hbm, extra_hbm, merged_hbm, b0, b1, be):
    c = lax.axis_index("c")
    s = lax.axis_index("s")
    wid = s * NC + c

    for k in range(2):
        ro = wid * (2 * MR) + k * MR
        pltpu.sync_copy(part_hbm.at[0].at[pl.ds(ro, MR)], b0)
        pltpu.sync_copy(part_hbm.at[1].at[pl.ds(ro, MR)], b1)
        pltpu.sync_copy(extra_hbm.at[pl.ds(ro, MR)], be)

        def row(r, carry):
            for cc in range(D // 16):
                sl = pl.ds(cc * 16, 16)
                b0[r, sl] = b0[r, sl] + b1[r, sl] - be[r, sl]
            return carry

        lax.fori_loop(0, MR, row, 0)
        pltpu.sync_copy(b0, merged_hbm.at[pl.ds(ro, MR)])


@functools.partial(
    pl.kernel,
    out_type=jax.ShapeDtypeStruct((N_EDGES, D), jnp.float32),
    mesh=_mesh,
    scratch_types=[
        pltpu.VMEM((NBP2, B2), jnp.int32),
        pltpu.VMEM((B2, D), jnp.float32),
        pltpu.VMEM((B2, D), jnp.float32),
        pltpu.VMEM((B2, D), jnp.float32),
        pltpu.VMEM((B2, D), jnp.float32),
        pltpu.SemaphoreType.DMA,
        pltpu.SemaphoreType.DMA,
        pltpu.SemaphoreType.DMA,
        pltpu.SemaphoreType.DMA,
    ],
)
def _phase2(idx2_hbm, x_hbm, merged_hbm, out_hbm,
            idx_v, x_v0, x_v1, g_v0, g_v1,
            sg0, sg1, so0, so1):
    c = lax.axis_index("c")
    s = lax.axis_index("s")
    wid = s * NC + c
    xv = (x_v0, x_v1)
    gv = (g_v0, g_v1)
    sg = (sg0, sg1)
    so = (so0, so1)

    pltpu.sync_copy(idx2_hbm.at[pl.ds(wid * NBP2, NBP2)], idx_v)

    def xsrc(b):
        return x_hbm.at[pl.ds(wid * EPW + b * B2, B2)]

    def odst(b):
        return out_hbm.at[pl.ds(wid * EPW + b * B2, B2)]

    def load_block(b, p):
        pltpu.async_copy(xsrc(b), xv[p], sg[p])
        pltpu.async_copy(merged_hbm.at[idx_v.at[b]], gv[p], sg[p])

    def sub(g, x):
        def row(r, carry):
            for cc in range(D // 16):
                sl = pl.ds(cc * 16, 16)
                g[r, sl] = g[r, sl] - x[r, sl]
            return carry
        lax.fori_loop(0, B2, row, 0)

    def wait_block(b, p):
        pltpu.make_async_copy(xsrc(b), xv[p], sg[p]).wait()
        pltpu.make_async_copy(xsrc(b), gv[p], sg[p]).wait()

    load_block(0, 0)
    wait_block(0, 0)
    load_block(1, 1)
    sub(gv[0], xv[0])
    pltpu.async_copy(gv[0], odst(0), so[0])

    def pair(k, carry):
        for boff, p in ((1, 1), (2, 0)):
            b = 2 * k + boff
            q = 1 - p
            wait_block(b, p)

            @pl.when(b + 1 < NB2)
            def _():
                pltpu.make_async_copy(gv[q], odst(b - 1), so[q]).wait()
                load_block(b + 1, q)

            sub(gv[p], xv[p])
            pltpu.async_copy(gv[p], odst(b), so[p])
        return carry

    lax.fori_loop(0, (NB2 - 1) // 2, pair, 0)
    pltpu.make_async_copy(gv[1], odst(NB2 - 2), so[1]).wait()
    pltpu.make_async_copy(gv[0], odst(NB2 - 1), so[0]).wait()


@jax.jit
def kernel(edge_index, extra, x):
    idx = edge_index[0]
    idx_p2 = jnp.pad(idx.reshape(NW, NB2, B2), ((0, 0), (0, NBP2 - NB2), (0, 0)))
    idx_p2 = idx_p2.reshape(NW * NBP2, B2)
    extra_p = jnp.pad(extra, ((0, N_PAD - N_NODES), (0, 0)))
    part = _phase1(idx_p2, x, extra_p)
    merged = _merge(part, extra_p)
    return _phase2(idx_p2, x, merged)

# --- scband reference (transcript-rebuilt; emitter-appended) ---
"""Pipeline reference for scband-message-passing-2585570312451 (READ-ONLY COPY).

The authoritative reference and input builder live on the scoring server;
editing this copy changes nothing except your own understanding.
"""

import jax, jax.numpy as jnp
import numpy as np

N_NODES = 10000
N_EDGES = 320000
D_FEAT = 128


def setup_inputs(seed: int = 0) -> dict:
    key = jax.random.key(seed)
    k1, k2, k3 = jax.random.split(key, 3)
    edge_index = jax.random.randint(k1, (2, N_EDGES), 0, N_NODES, dtype=jnp.int32)
    extra = jax.random.normal(k2, (N_NODES, D_FEAT), dtype=jnp.float32)
    x = jax.random.normal(k3, (N_EDGES, D_FEAT), dtype=jnp.float32)
    return {"edge_index": edge_index, "extra": extra, "x": x}


def reference(edge_index, extra, x):
    # Faithful translation of MessagePassing.propagate with aggr='add',
    # flow='source_to_target' (so i,j = 1,0), message(x_j)=x_j (note: the
    # original code appends the FULL x tensor without gathering, so x is
    # per-edge shaped [E, d]). size[0]=x.size(0)=E, size[1]=size[0]=E,
    # dim_size=size[i]=E.
    E = x.shape[0]
    idx = edge_index[0]  # edge_index[j] with j=0
    msg = x  # message(x_j) identity
    # scatter_('add', out, edge_index[j], dim_size=size[i])[edge_index[j]] - out
    agg = jax.ops.segment_sum(msg, idx, num_segments=E)
    out = agg[idx] - msg
    # flow == 'source_to_target': out = out + extra[edge_index[j]]
    out = out + extra[idx]
    # update(aggr_out) is identity
    return out

if __name__ == "__main__":
    import jax
    _d = setup_inputs()
    print(jax.jit(kernel)(*tuple(_d.values())))

</pallas_src>

<mosaic_0001>
#map = affine_map<(d0, d1) -> (0, 0)>
#map1 = affine_map<(d0, d1) -> (0, 0, 0)>
module attributes {stable_mosaic.version = 14 : i64} {
  func.func @_phase1(%arg0: i32, %arg1: i32, %arg2: memref<4096x80xi32, #tpu.memory_space<hbm>>, %arg3: memref<320000x128xf32, #tpu.memory_space<hbm>>, %arg4: memref<10240x128xf32, #tpu.memory_space<hbm>>, %arg5: memref<2x10240x128xf32, #tpu.memory_space<hbm>>, %arg6: memref<128x80xi32, #tpu.memory_space<vmem>>, %arg7: memref<80x128xf32, #tpu.memory_space<vmem>>, %arg8: memref<80x128xf32, #tpu.memory_space<vmem>>, %arg9: memref<10240x128xf32, #tpu.memory_space<vmem_shared>>, %arg10: memref<!tpu.dma_semaphore, #tpu.memory_space<semaphore_mem>>, %arg11: memref<!tpu.dma_semaphore, #tpu.memory_space<semaphore_mem>>) attributes {dimension_semantics = [#tpu.dimension_semantics<core_parallel>, #tpu.dimension_semantics<subcore_parallel>], iteration_bounds = array<i64: 2, 16>, scalar_prefetch = 0 : i64, scratch_operands = 6 : i64, tpu.core_type = #tpu.core_type<sc_vector_subcore>, window_params = [{transform_indices = #map}, {transform_indices = #map}, {transform_indices = #map}, {transform_indices = #map1}]} {
    %mul3A = arith.constant 2 : i32
    %mul3A_0 = arith.muli %arg1, %mul3A : i32
    %add3A = arith.addi %mul3A_0, %arg0 : i32
    %mul3A_1 = arith.constant 640 : i32
    %mul3A_2 = arith.muli %arg1, %mul3A_1 : i32
    "tpu.region"() ({
      %run_scoped3A_33 = tpu.sem_alloc : memref<!tpu.dma_semaphore, #tpu.memory_space<semaphore_mem>>
      %dma_start3A_34 = arith.constant 0 : i32
      %dma_start3A_35 = tpu.memref_slice %arg9[%mul3A_2, %dma_start3A_34] : memref<10240x128xf32, #tpu.memory_space<vmem_shared>> -> memref<640x128xf32, #tpu.memory_space<vmem_shared>>
      %dma_start3A_36 = arith.constant 0 : i32
      %dma_start3A_37 = tpu.memref_slice %arg4[%mul3A_2, %dma_start3A_36] : memref<10240x128xf32, #tpu.memory_space<hbm>> -> memref<640x128xf32, #tpu.memory_space<hbm>>
      tpu.enqueue_dma source(%dma_start3A_37 : memref<640x128xf32, #tpu.memory_space<hbm>>) target(%dma_start3A_35 : memref<640x128xf32, #tpu.memory_space<vmem_shared>>) target_semaphore(%run_scoped3A_33 : memref<!tpu.dma_semaphore, #tpu.memory_space<semaphore_mem>>)
      %dma_wait3A_38 = arith.constant 0 : i32
      %dma_wait3A_39 = tpu.memref_slice %arg9[%mul3A_2, %dma_wait3A_38] : memref<10240x128xf32, #tpu.memory_space<vmem_shared>> -> memref<640x128xf32, #tpu.memory_space<vmem_shared>>
      %dma_wait3A_40 = arith.constant 0 : i32
      %dma_wait3A_41 = tpu.memref_slice %arg4[%mul3A_2, %dma_wait3A_40] : memref<10240x128xf32, #tpu.memory_space<hbm>> -> memref<640x128xf32, #tpu.memory_space<hbm>>
      tpu.wait_dma2 semaphore(%run_scoped3A_33 : memref<!tpu.dma_semaphore, #tpu.memory_space<semaphore_mem>>) src(%dma_wait3A_41 : memref<640x128xf32, #tpu.memory_space<hbm>>) dst(%dma_wait3A_39 : memref<640x128xf32, #tpu.memory_space<vmem_shared>>)
      tpu.yield
    }) : () -> ()
    %barrier3A = arith.constant 0 : index
    tpu.barrier barrier_id(%barrier3A)
    %mul3A_3 = arith.constant 128 : i32
    %mul3A_4 = arith.muli %add3A, %mul3A_3 : i32
    "tpu.region"() ({
      %run_scoped3A_33 = tpu.sem_alloc : memref<!tpu.dma_semaphore, #tpu.memory_space<semaphore_mem>>
      %dma_start3A_34 = arith.constant 0 : i32
      %dma_start3A_35 = tpu.memref_slice %arg2[%mul3A_4, %dma_start3A_34] : memref<4096x80xi32, #tpu.memory_space<hbm>> -> memref<128x80xi32, #tpu.memory_space<hbm>>
      %dma_start3A_36 = arith.constant 0 : i32
      %dma_start3A_37 = tpu.memref_slice %arg2[%mul3A_4, %dma_start3A_36] : memref<4096x80xi32, #tpu.memory_space<hbm>> -> memref<128x80xi32, #tpu.memory_space<hbm>>
      tpu.enqueue_dma source(%dma_start3A_37 : memref<128x80xi32, #tpu.memory_space<hbm>>) target(%arg6 : memref<128x80xi32, #tpu.memory_space<vmem>>) target_semaphore(%run_scoped3A_33 : memref<!tpu.dma_semaphore, #tpu.memory_space<semaphore_mem>>)
      %dma_wait3A_38 = arith.constant 0 : i32
      %dma_wait3A_39 = tpu.memref_slice %arg2[%mul3A_4, %dma_wait3A_38] : memref<4096x80xi32, #tpu.memory_space<hbm>> -> memref<128x80xi32, #tpu.memory_space<hbm>>
      %dma_wait3A_40 = arith.constant 0 : i32
      %dma_wait3A_41 = tpu.memref_slice %arg2[%mul3A_4, %dma_wait3A_40] : memref<4096x80xi32, #tpu.memory_space<hbm>> -> memref<128x80xi32, #tpu.memory_space<hbm>>
      tpu.wait_dma2 semaphore(%run_scoped3A_33 : memref<!tpu.dma_semaphore, #tpu.memory_space<semaphore_mem>>) src(%dma_wait3A_41 : memref<128x80xi32, #tpu.memory_space<hbm>>) dst(%arg6 : memref<128x80xi32, #tpu.memory_space<vmem>>)
      tpu.yield
    }) : () -> ()
    %mul3A_5 = arith.constant 10000 : i32
    %mul3A_6 = arith.muli %add3A, %mul3A_5 : i32
    %add3A_7 = arith.constant 0 : i32
    %add3A_8 = arith.addi %mul3A_6, %add3A_7 : i32
    %dma_start3A = arith.constant 0 : i32
    %dma_start3A_9 = tpu.memref_slice %arg3[%add3A_8, %dma_start3A] : memref<320000x128xf32, #tpu.memory_space<hbm>> -> memref<80x128xf32, #tpu.memory_space<hbm>>
    %dma_start3A_10 = arith.constant 0 : i32
    %dma_start3A_11 = tpu.memref_slice %arg3[%add3A_8, %dma_start3A_10] : memref<320000x128xf32, #tpu.memory_space<hbm>> -> memref<80x128xf32, #tpu.memory_space<hbm>>
    tpu.enqueue_dma source(%dma_start3A_11 : memref<80x128xf32, #tpu.memory_space<hbm>>) target(%arg7 : memref<80x128xf32, #tpu.memory_space<vmem>>) target_semaphore(%arg10 : memref<!tpu.dma_semaphore, #tpu.memory_space<semaphore_mem>>)
    %scan3A = arith.constant 0 : i32
    %scan3A_12 = arith.constant 0 : i32
    %scan3A_13 = arith.constant 62 : i32
    %scan3A_14 = arith.addi %scan3A_12, %scan3A_13 : i32
    %scan3A_15 = arith.constant 1 : i32
    scf.for %scan3A_33 = %scan3A_12 to %scan3A_14 step %scan3A_15  : i32 {
      %mul3A_34 = arith.constant 2 : i32
      %mul3A_35 = arith.muli %mul3A_34, %scan3A_33 : i32
      %add3A_36 = arith.constant 0 : i32
      %add3A_37 = arith.addi %mul3A_35, %add3A_36 : i32
      %mul3A_38 = arith.constant 10000 : i32
      %mul3A_39 = arith.muli %add3A, %mul3A_38 : i32
      %mul3A_40 = arith.constant 80 : i32
      %mul3A_41 = arith.muli %add3A_37, %mul3A_40 : i32
      %add3A_42 = arith.addi %mul3A_39, %mul3A_41 : i32
      %dma_wait3A_43 = arith.constant 0 : i32
      %dma_wait3A_44 = tpu.memref_slice %arg3[%add3A_42, %dma_wait3A_43] : memref<320000x128xf32, #tpu.memory_space<hbm>> -> memref<80x128xf32, #tpu.memory_space<hbm>>
      %dma_wait3A_45 = arith.constant 0 : i32
      %dma_wait3A_46 = tpu.memref_slice %arg3[%add3A_42, %dma_wait3A_45] : memref<320000x128xf32, #tpu.memory_space<hbm>> -> memref<80x128xf32, #tpu.memory_space<hbm>>
      tpu.wait_dma2 semaphore(%arg10 : memref<!tpu.dma_semaphore, #tpu.memory_space<semaphore_mem>>) src(%dma_wait3A_46 : memref<80x128xf32, #tpu.memory_space<hbm>>) dst(%arg7 : memref<80x128xf32, #tpu.memory_space<vmem>>)
      %dma_start3A_47 = arith.constant 0 : i32
      %dma_start3A_48 = tpu.memref_slice %arg6[%add3A_37, %dma_start3A_47] : memref<128x80xi32, #tpu.memory_space<vmem>> -> memref<1x80xi32, #tpu.memory_space<vmem>>
      %dma_start3A_49 = tpu.memref_squeeze %dma_start3A_48 : memref<1x80xi32, #tpu.memory_space<vmem>> -> memref<80xi32, #tpu.memory_space<vmem>>
      %dma_start3A_50 = arith.constant 0 : i32
      %dma_start3A_51 = arith.constant 0 : i32
      %dma_start3A_52 = tpu.memref_slice %arg9[%dma_start3A_50, %dma_start3A_51] : memref<10240x128xf32, #tpu.memory_space<vmem_shared>> -> memref<10240x128xf32, #tpu.memory_space<vmem_shared>>
      tpu.enqueue_indirect_dma source(%arg7 : memref<80x128xf32, #tpu.memory_space<vmem>>) target(%dma_start3A_52 : memref<10240x128xf32, #tpu.memory_space<vmem_shared>>) offsets(%dma_start3A_49 : memref<80xi32, #tpu.memory_space<vmem>>) semaphore(%arg10 : memref<!tpu.dma_semaphore, #tpu.memory_space<semaphore_mem>>) {add = true}
      %add3A_53 = arith.constant 1 : i32
      %add3A_54 = arith.addi %add3A_37, %add3A_53 : i32
      %lt3A = arith.constant 125 : i32
      %lt3A_55 = arith.cmpi slt, %add3A_54, %lt3A : i32
      %convert_element_type3A = arith.extui %lt3A_55 : i1 to i32
      %cond3A = arith.constant 0 : i32
      %cond3A_56 = arith.cmpi ne, %convert_element_type3A, %cond3A : i32
      scf.if %cond3A_56 {
        %gt3A = arith.constant 0 : i32
        %gt3A_83 = arith.cmpi sgt, %add3A_37, %gt3A : i32
        %convert_element_type3A_84 = arith.extui %gt3A_83 : i1 to i32
        %cond3A_85 = arith.constant 0 : i32
        %cond3A_86 = arith.cmpi ne, %convert_element_type3A_84, %cond3A_85 : i32
        scf.if %cond3A_86 {
          %mul3A_98 = arith.constant 10000 : i32
          %mul3A_99 = arith.muli %add3A, %mul3A_98 : i32
          %mul3A_100 = arith.constant 80 : i32
          %mul3A_101 = arith.muli %add3A_37, %mul3A_100 : i32
          %add3A_102 = arith.addi %mul3A_99, %mul3A_101 : i32
          %dma_wait3A_103 = arith.constant 0 : i32
          %dma_wait3A_104 = tpu.memref_slice %arg3[%add3A_102, %dma_wait3A_103] : memref<320000x128xf32, #tpu.memory_space<hbm>> -> memref<80x128xf32, #tpu.memory_space<hbm>>
          %dma_wait3A_105 = arith.constant 0 : i32
          %dma_wait3A_106 = tpu.memref_slice %arg3[%add3A_102, %dma_wait3A_105] : memref<320000x128xf32, #tpu.memory_space<hbm>> -> memref<80x128xf32, #tpu.memory_space<hbm>>
          tpu.wait_dma2 semaphore(%arg11 : memref<!tpu.dma_semaphore, #tpu.memory_space<semaphore_mem>>) src(%dma_wait3A_106 : memref<80x128xf32, #tpu.memory_space<hbm>>) dst(%arg8 : memref<80x128xf32, #tpu.memory_space<vmem>>)
        } else {
        }
        %add3A_87 = arith.constant 1 : i32
        %add3A_88 = arith.addi %add3A_37, %add3A_87 : i32
        %mul3A_89 = arith.constant 10000 : i32
        %mul3A_90 = arith.muli %add3A, %mul3A_89 : i32
        %mul3A_91 = arith.constant 80 : i32
        %mul3A_92 = arith.muli %add3A_88, %mul3A_91 : i32
        %add3A_93 = arith.addi %mul3A_90, %mul3A_92 : i32
        %dma_start3A_94 = arith.constant 0 : i32
        %dma_start3A_95 = tpu.memref_slice %arg3[%add3A_93, %dma_start3A_94] : memref<320000x128xf32, #tpu.memory_space<hbm>> -> memref<80x128xf32, #tpu.memory_space<hbm>>
        %dma_start3A_96 = arith.constant 0 : i32
        %dma_start3A_97 = tpu.memref_slice %arg3[%add3A_93, %dma_start3A_96] : memref<320000x128xf32, #tpu.memory_space<hbm>> -> memref<80x128xf32, #tpu.memory_space<hbm>>
        tpu.enqueue_dma source(%dma_start3A_97 : memref<80x128xf32, #tpu.memory_space<hbm>>) target(%arg8 : memref<80x128xf32, #tpu.memory_space<vmem>>) target_semaphore(%arg11 : memref<!tpu.dma_semaphore, #tpu.memory_space<semaphore_mem>>)
      } else {
      }
      %mul3A_57 = arith.constant 2 : i32
      %mul3A_58 = arith.muli %mul3A_57, %scan3A_33 : i32
      %add3A_59 = arith.constant 1 : i32
      %add3A_60 = arith.addi %mul3A_58, %add3A_59 : i32
      %mul3A_61 = arith.constant 10000 : i32
      %mul3A_62 = arith.muli %add3A, %mul3A_61 : i32
      %mul3A_63 = arith.constant 80 : i32
      %mul3A_64 = arith.muli %add3A_60, %mul3A_63 : i32
      %add3A_65 = arith.addi %mul3A_62, %mul3A_64 : i32
      %dma_wait3A_66 = arith.constant 0 : i32
      %dma_wait3A_67 = tpu.memref_slice %arg3[%add3A_65, %dma_wait3A_66] : memref<320000x128xf32, #tpu.memory_space<hbm>> -> memref<80x128xf32, #tpu.memory_space<hbm>>
      %dma_wait3A_68 = arith.constant 0 : i32
      %dma_wait3A_69 = tpu.memref_slice %arg3[%add3A_65, %dma_wait3A_68] : memref<320000x128xf32, #tpu.memory_space<hbm>> -> memref<80x128xf32, #tpu.memory_space<hbm>>
      tpu.wait_dma2 semaphore(%arg11 : memref<!tpu.dma_semaphore, #tpu.memory_space<semaphore_mem>>) src(%dma_wait3A_69 : memref<80x128xf32, #tpu.memory_space<hbm>>) dst(%arg8 : memref<80x128xf32, #tpu.memory_space<vmem>>)
      %dma_start3A_70 = arith.constant 0 : i32
      %dma_start3A_71 = tpu.memref_slice %arg6[%add3A_60, %dma_start3A_70] : memref<128x80xi32, #tpu.memory_space<vmem>> -> memref<1x80xi32, #tpu.memory_space<vmem>>
      %dma_start3A_72 = tpu.memref_squeeze %dma_start3A_71 : memref<1x80xi32, #tpu.memory_space<vmem>> -> memref<80xi32, #tpu.memory_space<vmem>>
      %dma_start3A_73 = arith.constant 0 : i32
      %dma_start3A_74 = arith.constant 0 : i32
      %dma_start3A_75 = tpu.memref_slice %arg9[%dma_start3A_73, %dma_start3A_74] : memref<10240x128xf32, #tpu.memory_space<vmem_shared>> -> memref<10240x128xf32, #tpu.memory_space<vmem_shared>>
      tpu.enqueue_indirect_dma source(%arg8 : memref<80x128xf32, #tpu.memory_space<vmem>>) target(%dma_start3A_75 : memref<10240x128xf32, #tpu.memory_space<vmem_shared>>) offsets(%dma_start3A_72 : memref<80xi32, #tpu.memory_space<vmem>>) semaphore(%arg11 : memref<!tpu.dma_semaphore, #tpu.memory_space<semaphore_mem>>) {add = true}
      %add3A_76 = arith.constant 1 : i32
      %add3A_77 = arith.addi %add3A_60, %add3A_76 : i32
      %lt3A_78 = arith.constant 125 : i32
      %lt3A_79 = arith.cmpi slt, %add3A_77, %lt3A_78 : i32
      %convert_element_type3A_80 = arith.extui %lt3A_79 : i1 to i32
      %cond3A_81 = arith.constant 0 : i32
      %cond3A_82 = arith.cmpi ne, %convert_element_type3A_80, %cond3A_81 : i32
      scf.if %cond3A_82 {
        %gt3A = arith.constant 0 : i32
        %gt3A_83 = arith.cmpi sgt, %add3A_60, %gt3A : i32
        %convert_element_type3A_84 = arith.extui %gt3A_83 : i1 to i32
        %cond3A_85 = arith.constant 0 : i32
        %cond3A_86 = arith.cmpi ne, %convert_element_type3A_84, %cond3A_85 : i32
        scf.if %cond3A_86 {
          %mul3A_98 = arith.constant 10000 : i32
          %mul3A_99 = arith.muli %add3A, %mul3A_98 : i32
          %mul3A_100 = arith.constant 80 : i32
          %mul3A_101 = arith.muli %add3A_60, %mul3A_100 : i32
          %add3A_102 = arith.addi %mul3A_99, %mul3A_101 : i32
          %dma_wait3A_103 = arith.constant 0 : i32
          %dma_wait3A_104 = tpu.memref_slice %arg3[%add3A_102, %dma_wait3A_103] : memref<320000x128xf32, #tpu.memory_space<hbm>> -> memref<80x128xf32, #tpu.memory_space<hbm>>
          %dma_wait3A_105 = arith.constant 0 : i32
          %dma_wait3A_106 = tpu.memref_slice %arg3[%add3A_102, %dma_wait3A_105] : memref<320000x128xf32, #tpu.memory_space<hbm>> -> memref<80x128xf32, #tpu.memory_space<hbm>>
          tpu.wait_dma2 semaphore(%arg10 : memref<!tpu.dma_semaphore, #tpu.memory_space<semaphore_mem>>) src(%dma_wait3A_106 : memref<80x128xf32, #tpu.memory_space<hbm>>) dst(%arg7 : memref<80x128xf32, #tpu.memory_space<vmem>>)
        } else {
        }
        %add3A_87 = arith.constant 1 : i32
        %add3A_88 = arith.addi %add3A_60, %add3A_87 : i32
        %mul3A_89 = arith.constant 10000 : i32
        %mul3A_90 = arith.muli %add3A, %mul3A_89 : i32
        %mul3A_91 = arith.constant 80 : i32
        %mul3A_92 = arith.muli %add3A_88, %mul3A_91 : i32
        %add3A_93 = arith.addi %mul3A_90, %mul3A_92 : i32
        %dma_start3A_94 = arith.constant 0 : i32
        %dma_start3A_95 = tpu.memref_slice %arg3[%add3A_93, %dma_start3A_94] : memref<320000x128xf32, #tpu.memory_space<hbm>> -> memref<80x128xf32, #tpu.memory_space<hbm>>
        %dma_start3A_96 = arith.constant 0 : i32
        %dma_start3A_97 = tpu.memref_slice %arg3[%add3A_93, %dma_start3A_96] : memref<320000x128xf32, #tpu.memory_space<hbm>> -> memref<80x128xf32, #tpu.memory_space<hbm>>
        tpu.enqueue_dma source(%dma_start3A_97 : memref<80x128xf32, #tpu.memory_space<hbm>>) target(%arg7 : memref<80x128xf32, #tpu.memory_space<vmem>>) target_semaphore(%arg10 : memref<!tpu.dma_semaphore, #tpu.memory_space<semaphore_mem>>)
      } else {
      }
    }
    %scan3A_16 = arith.constant 62 : i32
    %mul3A_17 = arith.constant 10000 : i32
    %mul3A_18 = arith.muli %add3A, %mul3A_17 : i32
    %add3A_19 = arith.constant 0 : i32
    %add3A_20 = arith.addi %mul3A_18, %add3A_19 : i32
    %dma_wait3A = arith.constant 0 : i32
    %dma_wait3A_21 = tpu.memref_slice %arg3[%add3A_20, %dma_wait3A] : memref<320000x128xf32, #tpu.memory_space<hbm>> -> memref<80x128xf32, #tpu.memory_space<hbm>>
    %dma_wait3A_22 = arith.constant 0 : i32
    %dma_wait3A_23 = tpu.memref_slice %arg3[%add3A_20, %dma_wait3A_22] : memref<320000x128xf32, #tpu.memory_space<hbm>> -> memref<80x128xf32, #tpu.memory_space<hbm>>
    tpu.wait_dma2 semaphore(%arg10 : memref<!tpu.dma_semaphore, #tpu.memory_space<semaphore_mem>>) src(%dma_wait3A_23 : memref<80x128xf32, #tpu.memory_space<hbm>>) dst(%arg7 : memref<80x128xf32, #tpu.memory_space<vmem>>)
    %run_scoped3A = arith.constant 124 : i32
    "tpu.region"() ({
      %run_scoped3A_33 = tpu.sem_alloc : memref<!tpu.dma_semaphore, #tpu.memory_space<semaphore_mem>>
      %dma_start3A_34 = arith.constant 0 : i32
      %dma_start3A_35 = tpu.memref_slice %arg6[%run_scoped3A, %dma_start3A_34] : memref<128x80xi32, #tpu.memory_space<vmem>> -> memref<1x80xi32, #tpu.memory_space<vmem>>
      %dma_start3A_36 = tpu.memref_squeeze %dma_start3A_35 : memref<1x80xi32, #tpu.memory_space<vmem>> -> memref<80xi32, #tpu.memory_space<vmem>>
      %dma_start3A_37 = arith.constant 0 : i32
      %dma_start3A_38 = arith.constant 0 : i32
      %dma_start3A_39 = tpu.memref_slice %arg9[%dma_start3A_37, %dma_start3A_38] : memref<10240x128xf32, #tpu.memory_space<vmem_shared>> -> memref<10240x128xf32, #tpu.memory_space<vmem_shared>>
      tpu.enqueue_indirect_dma source(%arg7 : memref<80x128xf32, #tpu.memory_space<vmem>>) target(%dma_start3A_39 : memref<10240x128xf32, #tpu.memory_space<vmem_shared>>) offsets(%dma_start3A_36 : memref<80xi32, #tpu.memory_space<vmem>>) semaphore(%run_scoped3A_33 : memref<!tpu.dma_semaphore, #tpu.memory_space<semaphore_mem>>) {add = true}
      %dma_wait3A_40 = arith.constant 0 : i32
      %dma_wait3A_41 = tpu.memref_slice %arg6[%run_scoped3A, %dma_wait3A_40] : memref<128x80xi32, #tpu.memory_space<vmem>> -> memref<1x80xi32, #tpu.memory_space<vmem>>
      %dma_wait3A_42 = tpu.memref_squeeze %dma_wait3A_41 : memref<1x80xi32, #tpu.memory_space<vmem>> -> memref<80xi32, #tpu.memory_space<vmem>>
      %dma_wait3A_43 = arith.constant 0 : i32
      %dma_wait3A_44 = arith.constant 0 : i32
      %dma_wait3A_45 = tpu.memref_slice %arg9[%dma_wait3A_43, %dma_wait3A_44] : memref<10240x128xf32, #tpu.memory_space<vmem_shared>> -> memref<10240x128xf32, #tpu.memory_space<vmem_shared>>
      tpu.wait_indirect_dma semaphore(%run_scoped3A_33 : memref<!tpu.dma_semaphore, #tpu.memory_space<semaphore_mem>>) src(%arg7 : memref<80x128xf32, #tpu.memory_space<vmem>>) dst(%dma_wait3A_45 : memref<10240x128xf32, #tpu.memory_space<vmem_shared>>)
      tpu.yield
    }) : () -> ()
    %mul3A_24 = arith.constant 10000 : i32
    %mul3A_25 = arith.muli %add3A, %mul3A_24 : i32
    %add3A_26 = arith.constant 0 : i32
    %add3A_27 = arith.addi %mul3A_25, %add3A_26 : i32
    %dma_wait3A_28 = arith.constant 0 : i32
    %dma_wait3A_29 = tpu.memref_slice %arg3[%add3A_27, %dma_wait3A_28] : memref<320000x128xf32, #tpu.memory_space<hbm>> -> memref<80x128xf32, #tpu.memory_space<hbm>>
    %dma_wait3A_30 = arith.constant 0 : i32
    %dma_wait3A_31 = tpu.memref_slice %arg3[%add3A_27, %dma_wait3A_30] : memref<320000x128xf32, #tpu.memory_space<hbm>> -> memref<80x128xf32, #tpu.memory_space<hbm>>
    tpu.wait_dma2 semaphore(%arg11 : memref<!tpu.dma_semaphore, #tpu.memory_space<semaphore_mem>>) src(%dma_wait3A_31 : memref<80x128xf32, #tpu.memory_space<hbm>>) dst(%arg8 : memref<80x128xf32, #tpu.memory_space<vmem>>)
    %barrier3A_32 = arith.constant 0 : index
    tpu.barrier barrier_id(%barrier3A_32)
    "tpu.region"() ({
      %run_scoped3A_33 = tpu.sem_alloc : memref<!tpu.dma_semaphore, #tpu.memory_space<semaphore_mem>>
      %dma_start3A_34 = arith.constant 0 : i32
      %dma_start3A_35 = arith.constant 0 : i32
      %dma_start3A_36 = tpu.memref_slice %arg5[%arg0, %dma_start3A_34, %dma_start3A_35] : memref<2x10240x128xf32, #tpu.memory_space<hbm>> -> memref<1x10240x128xf32, #tpu.memory_space<hbm>>
      %dma_start3A_37 = tpu.memref_squeeze %dma_start3A_36 : memref<1x10240x128xf32, #tpu.memory_space<hbm>> -> memref<10240x128xf32, #tpu.memory_space<hbm>>
      %dma_start3A_38 = arith.constant 0 : i32
      %dma_start3A_39 = tpu.memref_slice %dma_start3A_37[%mul3A_2, %dma_start3A_38] : memref<10240x128xf32, #tpu.memory_space<hbm>> -> memref<640x128xf32, #tpu.memory_space<hbm>>
      %dma_start3A_40 = arith.constant 0 : i32
      %dma_start3A_41 = tpu.memref_slice %arg9[%mul3A_2, %dma_start3A_40] : memref<10240x128xf32, #tpu.memory_space<vmem_shared>> -> memref<640x128xf32, #tpu.memory_space<vmem_shared>>
      tpu.enqueue_dma source(%dma_start3A_41 : memref<640x128xf32, #tpu.memory_space<vmem_shared>>) target(%dma_start3A_39 : memref<640x128xf32, #tpu.memory_space<hbm>>) target_semaphore(%run_scoped3A_33 : memref<!tpu.dma_semaphore, #tpu.memory_space<semaphore_mem>>)
      %dma_wait3A_42 = arith.constant 0 : i32
      %dma_wait3A_43 = arith.constant 0 : i32
      %dma_wait3A_44 = tpu.memref_slice %arg5[%arg0, %dma_wait3A_42, %dma_wait3A_43] : memref<2x10240x128xf32, #tpu.memory_space<hbm>> -> memref<1x10240x128xf32, #tpu.memory_space<hbm>>
      %dma_wait3A_45 = tpu.memref_squeeze %dma_wait3A_44 : memref<1x10240x128xf32, #tpu.memory_space<hbm>> -> memref<10240x128xf32, #tpu.memory_space<hbm>>
      %dma_wait3A_46 = arith.constant 0 : i32
      %dma_wait3A_47 = tpu.memref_slice %dma_wait3A_45[%mul3A_2, %dma_wait3A_46] : memref<10240x128xf32, #tpu.memory_space<hbm>> -> memref<640x128xf32, #tpu.memory_space<hbm>>
      %dma_wait3A_48 = arith.constant 0 : i32
      %dma_wait3A_49 = tpu.memref_slice %arg9[%mul3A_2, %dma_wait3A_48] : memref<10240x128xf32, #tpu.memory_space<vmem_shared>> -> memref<640x128xf32, #tpu.memory_space<vmem_shared>>
      tpu.wait_dma2 semaphore(%run_scoped3A_33 : memref<!tpu.dma_semaphore, #tpu.memory_space<semaphore_mem>>) src(%dma_wait3A_49 : memref<640x128xf32, #tpu.memory_space<vmem_shared>>) dst(%dma_wait3A_47 : memref<640x128xf32, #tpu.memory_space<hbm>>)
      tpu.yield
    }) : () -> ()
    return
  }
}

#map = affine_map<(d0, d1) -> (0, 0, 0)>
#map1 = affine_map<(d0, d1) -> (0, 0)>
module attributes {stable_mosaic.version = 14 : i64} {
  func.func @_merge(%arg0: i32, %arg1: i32, %arg2: memref<2x10240x128xf32, #tpu.memory_space<hbm>>, %arg3: memref<10240x128xf32, #tpu.memory_space<hbm>>, %arg4: memref<10240x128xf32, #tpu.memory_space<hbm>>, %arg5: memref<160x128xf32, #tpu.memory_space<vmem>>, %arg6: memref<160x128xf32, #tpu.memory_space<vmem>>, %arg7: memref<160x128xf32, #tpu.memory_space<vmem>>) attributes {dimension_semantics = [#tpu.dimension_semantics<core_parallel>, #tpu.dimension_semantics<subcore_parallel>], iteration_bounds = array<i64: 2, 16>, scalar_prefetch = 0 : i64, scratch_operands = 3 : i64, tpu.core_type = #tpu.core_type<sc_vector_subcore>, window_params = [{transform_indices = #map}, {transform_indices = #map1}, {transform_indices = #map1}]} {
    %mul3A = arith.constant 2 : i32
    %mul3A_0 = arith.muli %arg1, %mul3A : i32
    %add3A = arith.addi %mul3A_0, %arg0 : i32
    %mul3A_1 = arith.constant 320 : i32
    %mul3A_2 = arith.muli %add3A, %mul3A_1 : i32
    %add3A_3 = arith.constant 0 : i32
    %add3A_4 = arith.addi %mul3A_2, %add3A_3 : i32
    %run_scoped3A = arith.constant 0 : i32
    "tpu.region"() ({
      %run_scoped3A_23 = tpu.sem_alloc : memref<!tpu.dma_semaphore, #tpu.memory_space<semaphore_mem>>
      %dma_start3A = arith.constant 0 : i32
      %dma_start3A_24 = arith.constant 0 : i32
      %dma_start3A_25 = tpu.memref_slice %arg2[%run_scoped3A, %dma_start3A, %dma_start3A_24] : memref<2x10240x128xf32, #tpu.memory_space<hbm>> -> memref<1x10240x128xf32, #tpu.memory_space<hbm>>
      %dma_start3A_26 = tpu.memref_squeeze %dma_start3A_25 : memref<1x10240x128xf32, #tpu.memory_space<hbm>> -> memref<10240x128xf32, #tpu.memory_space<hbm>>
      %dma_start3A_27 = arith.constant 0 : i32
      %dma_start3A_28 = tpu.memref_slice %dma_start3A_26[%add3A_4, %dma_start3A_27] : memref<10240x128xf32, #tpu.memory_space<hbm>> -> memref<160x128xf32, #tpu.memory_space<hbm>>
      %dma_start3A_29 = arith.constant 0 : i32
      %dma_start3A_30 = arith.constant 0 : i32
      %dma_start3A_31 = tpu.memref_slice %arg2[%run_scoped3A, %dma_start3A_29, %dma_start3A_30] : memref<2x10240x128xf32, #tpu.memory_space<hbm>> -> memref<1x10240x128xf32, #tpu.memory_space<hbm>>
      %dma_start3A_32 = tpu.memref_squeeze %dma_start3A_31 : memref<1x10240x128xf32, #tpu.memory_space<hbm>> -> memref<10240x128xf32, #tpu.memory_space<hbm>>
      %dma_start3A_33 = arith.constant 0 : i32
      %dma_start3A_34 = tpu.memref_slice %dma_start3A_32[%add3A_4, %dma_start3A_33] : memref<10240x128xf32, #tpu.memory_space<hbm>> -> memref<160x128xf32, #tpu.memory_space<hbm>>
      tpu.enqueue_dma source(%dma_start3A_34 : memref<160x128xf32, #tpu.memory_space<hbm>>) target(%arg5 : memref<160x128xf32, #tpu.memory_space<vmem>>) target_semaphore(%run_scoped3A_23 : memref<!tpu.dma_semaphore, #tpu.memory_space<semaphore_mem>>)
      %dma_wait3A = arith.constant 0 : i32
      %dma_wait3A_35 = arith.constant 0 : i32
      %dma_wait3A_36 = tpu.memref_slice %arg2[%run_scoped3A, %dma_wait3A, %dma_wait3A_35] : memref<2x10240x128xf32, #tpu.memory_space<hbm>> -> memref<1x10240x128xf32, #tpu.memory_space<hbm>>
      %dma_wait3A_37 = tpu.memref_squeeze %dma_wait3A_36 : memref<1x10240x128xf32, #tpu.memory_space<hbm>> -> memref<10240x128xf32, #tpu.memory_space<hbm>>
      %dma_wait3A_38 = arith.constant 0 : i32
      %dma_wait3A_39 = tpu.memref_slice %dma_wait3A_37[%add3A_4, %dma_wait3A_38] : memref<10240x128xf32, #tpu.memory_space<hbm>> -> memref<160x128xf32, #tpu.memory_space<hbm>>
      %dma_wait3A_40 = arith.constant 0 : i32
      %dma_wait3A_41 = arith.constant 0 : i32
      %dma_wait3A_42 = tpu.memref_slice %arg2[%run_scoped3A, %dma_wait3A_40, %dma_wait3A_41] : memref<2x10240x128xf32, #tpu.memory_space<hbm>> -> memref<1x10240x128xf32, #tpu.memory_space<hbm>>
      %dma_wait3A_43 = tpu.memref_squeeze %dma_wait3A_42 : memref<1x10240x128xf32, #tpu.memory_space<hbm>> -> memref<10240x128xf32, #tpu.memory_space<hbm>>
      %dma_wait3A_44 = arith.constant 0 : i32
      %dma_wait3A_45 = tpu.memref_slice %dma_wait3A_43[%add3A_4, %dma_wait3A_44] : memref<10240x128xf32, #tpu.memory_space<hbm>> -> memref<160x128xf32, #tpu.memory_space<hbm>>
      tpu.wait_dma2 semaphore(%run_scoped3A_23 : memref<!tpu.dma_semaphore, #tpu.memory_space<semaphore_mem>>) src(%dma_wait3A_45 : memref<160x128xf32, #tpu.memory_space<hbm>>) dst(%arg5 : memref<160x128xf32, #tpu.memory_space<vmem>>)
      tpu.yield
    }) : () -> ()
    %run_scoped3A_5 = arith.constant 1 : i32
    "tpu.region"() ({
      %run_scoped3A_23 = tpu.sem_alloc : memref<!tpu.dma_semaphore, #tpu.memory_space<semaphore_mem>>
      %dma_start3A = arith.constant 0 : i32
      %dma_start3A_24 = arith.constant 0 : i32
      %dma_start3A_25 = tpu.memref_slice %arg2[%run_scoped3A_5, %dma_start3A, %dma_start3A_24] : memref<2x10240x128xf32, #tpu.memory_space<hbm>> -> memref<1x10240x128xf32, #tpu.memory_space<hbm>>
      %dma_start3A_26 = tpu.memref_squeeze %dma_start3A_25 : memref<1x10240x128xf32, #tpu.memory_space<hbm>> -> memref<10240x128xf32, #tpu.memory_space<hbm>>
      %dma_start3A_27 = arith.constant 0 : i32
      %dma_start3A_28 = tpu.memref_slice %dma_start3A_26[%add3A_4, %dma_start3A_27] : memref<10240x128xf32, #tpu.memory_space<hbm>> -> memref<160x128xf32, #tpu.memory_space<hbm>>
      %dma_start3A_29 = arith.constant 0 : i32
      %dma_start3A_30 = arith.constant 0 : i32
      %dma_start3A_31 = tpu.memref_slice %arg2[%run_scoped3A_5, %dma_start3A_29, %dma_start3A_30] : memref<2x10240x128xf32, #tpu.memory_space<hbm>> -> memref<1x10240x128xf32, #tpu.memory_space<hbm>>
      %dma_start3A_32 = tpu.memref_squeeze %dma_start3A_31 : memref<1x10240x128xf32, #tpu.memory_space<hbm>> -> memref<10240x128xf32, #tpu.memory_space<hbm>>
      %dma_start3A_33 = arith.constant 0 : i32
      %dma_start3A_34 = tpu.memref_slice %dma_start3A_32[%add3A_4, %dma_start3A_33] : memref<10240x128xf32, #tpu.memory_space<hbm>> -> memref<160x128xf32, #tpu.memory_space<hbm>>
      tpu.enqueue_dma source(%dma_start3A_34 : memref<160x128xf32, #tpu.memory_space<hbm>>) target(%arg6 : memref<160x128xf32, #tpu.memory_space<vmem>>) target_semaphore(%run_scoped3A_23 : memref<!tpu.dma_semaphore, #tpu.memory_space<semaphore_mem>>)
      %dma_wait3A = arith.constant 0 : i32
      %dma_wait3A_35 = arith.constant 0 : i32
      %dma_wait3A_36 = tpu.memref_slice %arg2[%run_scoped3A_5, %dma_wait3A, %dma_wait3A_35] : memref<2x10240x128xf32, #tpu.memory_space<hbm>> -> memref<1x10240x128xf32, #tpu.memory_space<hbm>>
      %dma_wait3A_37 = tpu.memref_squeeze %dma_wait3A_36 : memref<1x10240x128xf32, #tpu.memory_space<hbm>> -> memref<10240x128xf32, #tpu.memory_space<hbm>>
      %dma_wait3A_38 = arith.constant 0 : i32
      %dma_wait3A_39 = tpu.memref_slice %dma_wait3A_37[%add3A_4, %dma_wait3A_38] : memref<10240x128xf32, #tpu.memory_space<hbm>> -> memref<160x128xf32, #tpu.memory_space<hbm>>
      %dma_wait3A_40 = arith.constant 0 : i32
      %dma_wait3A_41 = arith.constant 0 : i32
      %dma_wait3A_42 = tpu.memref_slice %arg2[%run_scoped3A_5, %dma_wait3A_40, %dma_wait3A_41] : memref<2x10240x128xf32, #tpu.memory_space<hbm>> -> memref<1x10240x128xf32, #tpu.memory_space<hbm>>
      %dma_wait3A_43 = tpu.memref_squeeze %dma_wait3A_42 : memref<1x10240x128xf32, #tpu.memory_space<hbm>> -> memref<10240x128xf32, #tpu.memory_space<hbm>>
      %dma_wait3A_44 = arith.constant 0 : i32
      %dma_wait3A_45 = tpu.memref_slice %dma_wait3A_43[%add3A_4, %dma_wait3A_44] : memref<10240x128xf32, #tpu.memory_space<hbm>> -> memref<160x128xf32, #tpu.memory_space<hbm>>
      tpu.wait_dma2 semaphore(%run_scoped3A_23 : memref<!tpu.dma_semaphore, #tpu.memory_space<semaphore_mem>>) src(%dma_wait3A_45 : memref<160x128xf32, #tpu.memory_space<hbm>>) dst(%arg6 : memref<160x128xf32, #tpu.memory_space<vmem>>)
      tpu.yield
    }) : () -> ()
    "tpu.region"() ({
      %run_scoped3A_23 = tpu.sem_alloc : memref<!tpu.dma_semaphore, #tpu.memory_space<semaphore_mem>>
      %dma_start3A = arith.constant 0 : i32
      %dma_start3A_24 = tpu.memref_slice %arg3[%add3A_4, %dma_start3A] : memref<10240x128xf32, #tpu.memory_space<hbm>> -> memref<160x128xf32, #tpu.memory_space<hbm>>
      %dma_start3A_25 = arith.constant 0 : i32
      %dma_start3A_26 = tpu.memref_slice %arg3[%add3A_4, %dma_start3A_25] : memref<10240x128xf32, #tpu.memory_space<hbm>> -> memref<160x128xf32, #tpu.memory_space<hbm>>
      tpu.enqueue_dma source(%dma_start3A_26 : memref<160x128xf32, #tpu.memory_space<hbm>>) target(%arg7 : memref<160x128xf32, #tpu.memory_space<vmem>>) target_semaphore(%run_scoped3A_23 : memref<!tpu.dma_semaphore, #tpu.memory_space<semaphore_mem>>)
      %dma_wait3A = arith.constant 0 : i32
      %dma_wait3A_27 = tpu.memref_slice %arg3[%add3A_4, %dma_wait3A] : memref<10240x128xf32, #tpu.memory_space<hbm>> -> memref<160x128xf32, #tpu.memory_space<hbm>>
      %dma_wait3A_28 = arith.constant 0 : i32
      %dma_wait3A_29 = tpu.memref_slice %arg3[%add3A_4, %dma_wait3A_28] : memref<10240x128xf32, #tpu.memory_space<hbm>> -> memref<160x128xf32, #tpu.memory_space<hbm>>
      tpu.wait_dma2 semaphore(%run_scoped3A_23 : memref<!tpu.dma_semaphore, #tpu.memory_space<semaphore_mem>>) src(%dma_wait3A_29 : memref<160x128xf32, #tpu.memory_space<hbm>>) dst(%arg7 : memref<160x128xf32, #tpu.memory_space<vmem>>)
      tpu.yield
    }) : () -> ()
    %scan3A = arith.constant 0 : i32
    %scan3A_6 = arith.constant 0 : i32
    %scan3A_7 = arith.constant 160 : i32
    %scan3A_8 = arith.addi %scan3A_6, %scan3A_7 : i32
    %scan3A_9 = arith.constant 1 : i32
    scf.for %scan3A_23 = %scan3A_6 to %scan3A_8 step %scan3A_9  : i32 {
      %get3A = arith.index_cast %scan3A_23 : i32 to index
      %get3A_24 = arith.constant 0 : index
      %get3A_25 = tpu.vector_load %arg5[%get3A, %get3A_24] {strides = array<i32>} : memref<160x128xf32, #tpu.memory_space<vmem>>, vector<1x16xf32>,
      %get3A_26 = vector.shape_cast %get3A_25 : vector<1x16xf32> to vector<16xf32>
      %get3A_27 = arith.index_cast %scan3A_23 : i32 to index
      %get3A_28 = arith.constant 0 : index
      %get3A_29 = tpu.vector_load %arg6[%get3A_27, %get3A_28] {strides = array<i32>} : memref<160x128xf32, #tpu.memory_space<vmem>>, vector<1x16xf32>,
      %get3A_30 = vector.shape_cast %get3A_29 : vector<1x16xf32> to vector<16xf32>
      %add3A_31 = arith.addf %get3A_26, %get3A_30 : vector<16xf32>
      %get3A_32 = arith.index_cast %scan3A_23 : i32 to index
      %get3A_33 = arith.constant 0 : index
      %get3A_34 = tpu.vector_load %arg7[%get3A_32, %get3A_33] {strides = array<i32>} : memref<160x128xf32, #tpu.memory_space<vmem>>, vector<1x16xf32>,
      %get3A_35 = vector.shape_cast %get3A_34 : vector<1x16xf32> to vector<16xf32>
      %sub3A = arith.subf %add3A_31, %get3A_35 : vector<16xf32>
      %swap3A = arith.index_cast %scan3A_23 : i32 to index
      %swap3A_36 = arith.constant 0 : index
      %swap3A_37 = tpu.vector_load %arg5[%swap3A, %swap3A_36] {strides = array<i32>} : memref<160x128xf32, #tpu.memory_space<vmem>>, vector<1x16xf32>,
      %swap3A_38 = vector.shape_cast %swap3A_37 : vector<1x16xf32> to vector<16xf32>
      %swap3A_39 = vector.shape_cast %sub3A : vector<16xf32> to vector<1x16xf32>
      tpu.vector_store %arg5[%swap3A, %swap3A_36], %swap3A_39 {strides = array<i32>} : memref<160x128xf32, #tpu.memory_space<vmem>>, vector<1x16xf32>,
      %get3A_40 = arith.index_cast %scan3A_23 : i32 to index
      %get3A_41 = arith.constant 16 : index
      %get3A_42 = tpu.vector_load %arg5[%get3A_40, %get3A_41] {strides = array<i32>} : memref<160x128xf32, #tpu.memory_space<vmem>>, vector<1x16xf32>,
      %get3A_43 = vector.shape_cast %get3A_42 : vector<1x16xf32> to vector<16xf32>
      %get3A_44 = arith.index_cast %scan3A_23 : i32 to index
      %get3A_45 = arith.constant 16 : index
      %get3A_46 = tpu.vector_load %arg6[%get3A_44, %get3A_45] {strides = array<i32>} : memref<160x128xf32, #tpu.memory_space<vmem>>, vector<1x16xf32>,
      %get3A_47 = vector.shape_cast %get3A_46 : vector<1x16xf32> to vector<16xf32>
      %add3A_48 = arith.addf %get3A_43, %get3A_47 : vector<16xf32>
      %get3A_49 = arith.index_cast %scan3A_23 : i32 to index
      %get3A_50 = arith.constant 16 : index
      %get3A_51 = tpu.vector_load %arg7[%get3A_49, %get3A_50] {strides = array<i32>} : memref<160x128xf32, #tpu.memory_space<vmem>>, vector<1x16xf32>,
      %get3A_52 = vector.shape_cast %get3A_51 : vector<1x16xf32> to vector<16xf32>
      %sub3A_53 = arith.subf %add3A_48, %get3A_52 : vector<16xf32>
      %swap3A_54 = arith.index_cast %scan3A_23 : i32 to index
      %swap3A_55 = arith.constant 16 : index
      %swap3A_56 = tpu.vector_load %arg5[%swap3A_54, %swap3A_55] {strides = array<i32>} : memref<160x128xf32, #tpu.memory_space<vmem>>, vector<1x16xf32>,
      %swap3A_57 = vector.shape_cast %swap3A_56 : vector<1x16xf32> to vector<16xf32>
      %swap3A_58 = vector.shape_cast %sub3A_53 : vector<16xf32> to vector<1x16xf32>
      tpu.vector_store %arg5[%swap3A_54, %swap3A_55], %swap3A_58 {strides = array<i32>} : memref<160x128xf32, #tpu.memory_space<vmem>>, vector<1x16xf32>,
      %get3A_59 = arith.index_cast %scan3A_23 : i32 to index
      %get3A_60 = arith.constant 32 : index
      %get3A_61 = tpu.vector_load %arg5[%get3A_59, %get3A_60] {strides = array<i32>} : memref<160x128xf32, #tpu.memory_space<vmem>>, vector<1x16xf32>,
      %get3A_62 = vector.shape_cast %get3A_61 : vector<1x16xf32> to vector<16xf32>
      %get3A_63 = arith.index_cast %scan3A_23 : i32 to index
      %get3A_64 = arith.constant 32 : index
      %get3A_65 = tpu.vector_load %arg6[%get3A_63, %get3A_64] {strides = array<i32>} : memref<160x128xf32, #tpu.memory_space<vmem>>, vector<1x16xf32>,
      %get3A_66 = vector.shape_cast %get3A_65 : vector<1x16xf32> to vector<16xf32>
      %add3A_67 = arith.addf %get3A_62, %get3A_66 : vector<16xf32>
      %get3A_68 = arith.index_cast %scan3A_23 : i32 to index
      %get3A_69 = arith.constant 32 : index
      %get3A_70 = tpu.vector_load %arg7[%get3A_68, %get3A_69] {strides = array<i32>} : memref<160x128xf32, #tpu.memory_space<vmem>>, vector<1x16xf32>,
      %get3A_71 = vector.shape_cast %get3A_70 : vector<1x16xf32> to vector<16xf32>
      %sub3A_72 = arith.subf %add3A_67, %get3A_71 : vector<16xf32>
      %swap3A_73 = arith.index_cast %scan3A_23 : i32 to index
      %swap3A_74 = arith.constant 32 : index
      %swap3A_75 = tpu.vector_load %arg5[%swap3A_73, %swap3A_74] {strides = array<i32>} : memref<160x128xf32, #tpu.memory_space<vmem>>, vector<1x16xf32>,
      %swap3A_76 = vector.shape_cast %swap3A_75 : vector<1x16xf32> to vector<16xf32>
      %swap3A_77 = vector.shape_cast %sub3A_72 : vector<16xf32> to vector<1x16xf32>
      tpu.vector_store %arg5[%swap3A_73, %swap3A_74], %swap3A_77 {strides = array<i32>} : memref<160x128xf32, #tpu.memory_space<vmem>>, vector<1x16xf32>,
      %get3A_78 = arith.index_cast %scan3A_23 : i32 to index
      %get3A_79 = arith.constant 48 : index
      %get3A_80 = tpu.vector_load %arg5[%get3A_78, %get3A_79] {strides = array<i32>} : memref<160x128xf32, #tpu.memory_space<vmem>>, vector<1x16xf32>,
      %get3A_81 = vector.shape_cast %get3A_80 : vector<1x16xf32> to vector<16xf32>
      %get3A_82 = arith.index_cast %scan3A_23 : i32 to index
      %get3A_83 = arith.constant 48 : index
      %get3A_84 = tpu.vector_load %arg6[%get3A_82, %get3A_83] {strides = array<i32>} : memref<160x128xf32, #tpu.memory_space<vmem>>, vector<1x16xf32>,
      %get3A_85 = vector.shape_cast %get3A_84 : vector<1x16xf32> to vector<16xf32>
      %add3A_86 = arith.addf %get3A_81, %get3A_85 : vector<16xf32>
      %get3A_87 = arith.index_cast %scan3A_23 : i32 to index
      %get3A_88 = arith.constant 48 : index
      %get3A_89 = tpu.vector_load %arg7[%get3A_87, %get3A_88] {strides = array<i32>} : memref<160x128xf32, #tpu.memory_space<vmem>>, vector<1x16xf32>,
      %get3A_90 = vector.shape_cast %get3A_89 : vector<1x16xf32> to vector<16xf32>
      %sub3A_91 = arith.subf %add3A_86, %get3A_90 : vector<16xf32>
      %swap3A_92 = arith.index_cast %scan3A_23 : i32 to index
      %swap3A_93 = arith.constant 48 : index
      %swap3A_94 = tpu.vector_load %arg5[%swap3A_92, %swap3A_93] {strides = array<i32>} : memref<160x128xf32, #tpu.memory_space<vmem>>, vector<1x16xf32>,
      %swap3A_95 = vector.shape_cast %swap3A_94 : vector<1x16xf32> to vector<16xf32>
      %swap3A_96 = vector.shape_cast %sub3A_91 : vector<16xf32> to vector<1x16xf32>
      tpu.vector_store %arg5[%swap3A_92, %swap3A_93], %swap3A_96 {strides = array<i32>} : memref<160x128xf32, #tpu.memory_space<vmem>>, vector<1x16xf32>,
      %get3A_97 = arith.index_cast %scan3A_23 : i32 to index
      %get3A_98 = arith.constant 64 : index
      %get3A_99 = tpu.vector_load %arg5[%get3A_97, %get3A_98] {strides = array<i32>} : memref<160x128xf32, #tpu.memory_space<vmem>>, vector<1x16xf32>,
      %get3A_100 = vector.shape_cast %get3A_99 : vector<1x16xf32> to vector<16xf32>
      %get3A_101 = arith.index_cast %scan3A_23 : i32 to index
      %get3A_102 = arith.constant 64 : index
      %get3A_103 = tpu.vector_load %arg6[%get3A_101, %get3A_102] {strides = array<i32>} : memref<160x128xf32, #tpu.memory_space<vmem>>, vector<1x16xf32>,
      %get3A_104 = vector.shape_cast %get3A_103 : vector<1x16xf32> to vector<16xf32>
      %add3A_105 = arith.addf %get3A_100, %get3A_104 : vector<16xf32>
      %get3A_106 = arith.index_cast %scan3A_23 : i32 to index
      %get3A_107 = arith.constant 64 : index
      %get3A_108 = tpu.vector_load %arg7[%get3A_106, %get3A_107] {strides = array<i32>} : memref<160x128xf32, #tpu.memory_space<vmem>>, vector<1x16xf32>,
      %get3A_109 = vector.shape_cast %get3A_108 : vector<1x16xf32> to vector<16xf32>
      %sub3A_110 = arith.subf %add3A_105, %get3A_109 : vector<16xf32>
      %swap3A_111 = arith.index_cast %scan3A_23 : i32 to index
      %swap3A_112 = arith.constant 64 : index
      %swap3A_113 = tpu.vector_load %arg5[%swap3A_111, %swap3A_112] {strides = array<i32>} : memref<160x128xf32, #tpu.memory_space<vmem>>, vector<1x16xf32>,
      %swap3A_114 = vector.shape_cast %swap3A_113 : vector<1x16xf32> to vector<16xf32>
      %swap3A_115 = vector.shape_cast %sub3A_110 : vector<16xf32> to vector<1x16xf32>
      tpu.vector_store %arg5[%swap3A_111, %swap3A_112], %swap3A_115 {strides = array<i32>} : memref<160x128xf32, #tpu.memory_space<vmem>>, vector<1x16xf32>,
      %get3A_116 = arith.index_cast %scan3A_23 : i32 to index
      %get3A_117 = arith.constant 80 : index
      %get3A_118 = tpu.vector_load %arg5[%get3A_116, %get3A_117] {strides = array<i32>} : memref<160x128xf32, #tpu.memory_space<vmem>>, vector<1x16xf32>,
      %get3A_119 = vector.shape_cast %get3A_118 : vector<1x16xf32> to vector<16xf32>
      %get3A_120 = arith.index_cast %scan3A_23 : i32 to index
      %get3A_121 = arith.constant 80 : index
      %get3A_122 = tpu.vector_load %arg6[%get3A_120, %get3A_121] {strides = array<i32>} : memref<160x128xf32, #tpu.memory_space<vmem>>, vector<1x16xf32>,
      %get3A_123 = vector.shape_cast %get3A_122 : vector<1x16xf32> to vector<16xf32>
      %add3A_124 = arith.addf %get3A_119, %get3A_123 : vector<16xf32>
      %get3A_125 = arith.index_cast %scan3A_23 : i32 to index
      %get3A_126 = arith.constant 80 : index
      %get3A_127 = tpu.vector_load %arg7[%get3A_125, %get3A_126] {strides = array<i32>} : memref<160x128xf32, #tpu.memory_space<vmem>>, vector<1x16xf32>,
      %get3A_128 = vector.shape_cast %get3A_127 : vector<1x16xf32> to vector<16xf32>
      %sub3A_129 = arith.subf %add3A_124, %get3A_128 : vector<16xf32>
      %swap3A_130 = arith.index_cast %scan3A_23 : i32 to index
      %swap3A_131 = arith.constant 80 : index
      %swap3A_132 = tpu.vector_load %arg5[%swap3A_130, %swap3A_131] {strides = array<i32>} : memref<160x128xf32, #tpu.memory_space<vmem>>, vector<1x16xf32>,
      %swap3A_133 = vector.shape_cast %swap3A_132 : vector<1x16xf32> to vector<16xf32>
      %swap3A_134 = vector.shape_cast %sub3A_129 : vector<16xf32> to vector<1x16xf32>
      tpu.vector_store %arg5[%swap3A_130, %swap3A_131], %swap3A_134 {strides = array<i32>} : memref<160x128xf32, #tpu.memory_space<vmem>>, vector<1x16xf32>,
      %get3A_135 = arith.index_cast %scan3A_23 : i32 to index
      %get3A_136 = arith.constant 96 : index
      %get3A_137 = tpu.vector_load %arg5[%get3A_135, %get3A_136] {strides = array<i32>} : memref<160x128xf32, #tpu.memory_space<vmem>>, vector<1x16xf32>,
      %get3A_138 = vector.shape_cast %get3A_137 : vector<1x16xf32> to vector<16xf32>
      %get3A_139 = arith.index_cast %scan3A_23 : i32 to index
      %get3A_140 = arith.constant 96 : index
      %get3A_141 = tpu.vector_load %arg6[%get3A_139, %get3A_140] {strides = array<i32>} : memref<160x128xf32, #tpu.memory_space<vmem>>, vector<1x16xf32>,
      %get3A_142 = vector.shape_cast %get3A_141 : vector<1x16xf32> to vector<16xf32>
      %add3A_143 = arith.addf %get3A_138, %get3A_142 : vector<16xf32>
      %get3A_144 = arith.index_cast %scan3A_23 : i32 to index
      %get3A_145 = arith.constant 96 : index
      %get3A_146 = tpu.vector_load %arg7[%get3A_144, %get3A_145] {strides = array<i32>} : memref<160x128xf32, #tpu.memory_space<vmem>>, vector<1x16xf32>,
      %get3A_147 = vector.shape_cast %get3A_146 : vector<1x16xf32> to vector<16xf32>
      %sub3A_148 = arith.subf %add3A_143, %get3A_147 : vector<16xf32>
      %swap3A_149 = arith.index_cast %scan3A_23 : i32 to index
      %swap3A_150 = arith.constant 96 : index
      %swap3A_151 = tpu.vector_load %arg5[%swap3A_149, %swap3A_150] {strides = array<i32>} : memref<160x128xf32, #tpu.memory_space<vmem>>, vector<1x16xf32>,
      %swap3A_152 = vector.shape_cast %swap3A_151 : vector<1x16xf32> to vector<16xf32>
      %swap3A_153 = vector.shape_cast %sub3A_148 : vector<16xf32> to vector<1x16xf32>
      tpu.vector_store %arg5[%swap3A_149, %swap3A_150], %swap3A_153 {strides = array<i32>} : memref<160x128xf32, #tpu.memory_space<vmem>>, vector<1x16xf32>,
      %get3A_154 = arith.index_cast %scan3A_23 : i32 to index
      %get3A_155 = arith.constant 112 : index
      %get3A_156 = tpu.vector_load %arg5[%get3A_154, %get3A_155] {strides = array<i32>} : memref<160x128xf32, #tpu.memory_space<vmem>>, vector<1x16xf32>,
      %get3A_157 = vector.shape_cast %get3A_156 : vector<1x16xf32> to vector<16xf32>
      %get3A_158 = arith.index_cast %scan3A_23 : i32 to index
      %get3A_159 = arith.constant 112 : index
      %get3A_160 = tpu.vector_load %arg6[%get3A_158, %get3A_159] {strides = array<i32>} : memref<160x128xf32, #tpu.memory_space<vmem>>, vector<1x16xf32>,
      %get3A_161 = vector.shape_cast %get3A_160 : vector<1x16xf32> to vector<16xf32>
      %add3A_162 = arith.addf %get3A_157, %get3A_161 : vector<16xf32>
      %get3A_163 = arith.index_cast %scan3A_23 : i32 to index
      %get3A_164 = arith.constant 112 : index
      %get3A_165 = tpu.vector_load %arg7[%get3A_163, %get3A_164] {strides = array<i32>} : memref<160x128xf32, #tpu.memory_space<vmem>>, vector<1x16xf32>,
      %get3A_166 = vector.shape_cast %get3A_165 : vector<1x16xf32> to vector<16xf32>
      %sub3A_167 = arith.subf %add3A_162, %get3A_166 : vector<16xf32>
      %swap3A_168 = arith.index_cast %scan3A_23 : i32 to index
      %swap3A_169 = arith.constant 112 : index
      %swap3A_170 = tpu.vector_load %arg5[%swap3A_168, %swap3A_169] {strides = array<i32>} : memref<160x128xf32, #tpu.memory_space<vmem>>, vector<1x16xf32>,
      %swap3A_171 = vector.shape_cast %swap3A_170 : vector<1x16xf32> to vector<16xf32>
      %swap3A_172 = vector.shape_cast %sub3A_167 : vector<16xf32> to vector<1x16xf32>
      tpu.vector_store %arg5[%swap3A_168, %swap3A_169], %swap3A_172 {strides = array<i32>} : memref<160x128xf32, #tpu.memory_space<vmem>>, vector<1x16xf32>,
    }
    %scan3A_10 = arith.constant 160 : i32
    "tpu.region"() ({
      %run_scoped3A_23 = tpu.sem_alloc : memref<!tpu.dma_semaphore, #tpu.memory_space<semaphore_mem>>
      %dma_start3A = arith.constant 0 : i32
      %dma_start3A_24 = tpu.memref_slice %arg4[%add3A_4, %dma_start3A] : memref<10240x128xf32, #tpu.memory_space<hbm>> -> memref<160x128xf32, #tpu.memory_space<hbm>>
      %dma_start3A_25 = arith.constant 0 : i32
      %dma_start3A_26 = tpu.memref_slice %arg4[%add3A_4, %dma_start3A_25] : memref<10240x128xf32, #tpu.memory_space<hbm>> -> memref<160x128xf32, #tpu.memory_space<hbm>>
      tpu.enqueue_dma source(%arg5 : memref<160x128xf32, #tpu.memory_space<vmem>>) target(%dma_start3A_26 : memref<160x128xf32, #tpu.memory_space<hbm>>) target_semaphore(%run_scoped3A_23 : memref<!tpu.dma_semaphore, #tpu.memory_space<semaphore_mem>>)
      %dma_wait3A = arith.constant 0 : i32
      %dma_wait3A_27 = tpu.memref_slice %arg4[%add3A_4, %dma_wait3A] : memref<10240x128xf32, #tpu.memory_space<hbm>> -> memref<160x128xf32, #tpu.memory_space<hbm>>
      %dma_wait3A_28 = arith.constant 0 : i32
      %dma_wait3A_29 = tpu.memref_slice %arg4[%add3A_4, %dma_wait3A_28] : memref<10240x128xf32, #tpu.memory_space<hbm>> -> memref<160x128xf32, #tpu.memory_space<hbm>>
      tpu.wait_dma2 semaphore(%run_scoped3A_23 : memref<!tpu.dma_semaphore, #tpu.memory_space<semaphore_mem>>) src(%arg5 : memref<160x128xf32, #tpu.memory_space<vmem>>) dst(%dma_wait3A_29 : memref<160x128xf32, #tpu.memory_space<hbm>>)
      tpu.yield
    }) : () -> ()
    %mul3A_11 = arith.constant 320 : i32
    %mul3A_12 = arith.muli %add3A, %mul3A_11 : i32
    %add3A_13 = arith.constant 160 : i32
    %add3A_14 = arith.addi %mul3A_12, %add3A_13 : i32
    %run_scoped3A_15 = arith.constant 0 : i32
    "tpu.region"() ({
      %run_scoped3A_23 = tpu.sem_alloc : memref<!tpu.dma_semaphore, #tpu.memory_space<semaphore_mem>>
      %dma_start3A = arith.constant 0 : i32
      %dma_start3A_24 = arith.constant 0 : i32
      %dma_start3A_25 = tpu.memref_slice %arg2[%run_scoped3A_15, %dma_start3A, %dma_start3A_24] : memref<2x10240x128xf32, #tpu.memory_space<hbm>> -> memref<1x10240x128xf32, #tpu.memory_space<hbm>>
      %dma_start3A_26 = tpu.memref_squeeze %dma_start3A_25 : memref<1x10240x128xf32, #tpu.memory_space<hbm>> -> memref<10240x128xf32, #tpu.memory_space<hbm>>
      %dma_start3A_27 = arith.constant 0 : i32
      %dma_start3A_28 = tpu.memref_slice %dma_start3A_26[%add3A_14, %dma_start3A_27] : memref<10240x128xf32, #tpu.memory_space<hbm>> -> memref<160x128xf32, #tpu.memory_space<hbm>>
      %dma_start3A_29 = arith.constant 0 : i32
      %dma_start3A_30 = arith.constant 0 : i32
      %dma_start3A_31 = tpu.memref_slice %arg2[%run_scoped3A_15, %dma_start3A_29, %dma_start3A_30] : memref<2x10240x128xf32, #tpu.memory_space<hbm>> -> memref<1x10240x128xf32, #tpu.memory_space<hbm>>
      %dma_start3A_32 = tpu.memref_squeeze %dma_start3A_31 : memref<1x10240x128xf32, #tpu.memory_space<hbm>> -> memref<10240x128xf32, #tpu.memory_space<hbm>>
      %dma_start3A_33 = arith.constant 0 : i32
      %dma_start3A_34 = tpu.memref_slice %dma_start3A_32[%add3A_14, %dma_start3A_33] : memref<10240x128xf32, #tpu.memory_space<hbm>> -> memref<160x128xf32, #tpu.memory_space<hbm>>
      tpu.enqueue_dma source(%dma_start3A_34 : memref<160x128xf32, #tpu.memory_space<hbm>>) target(%arg5 : memref<160x128xf32, #tpu.memory_space<vmem>>) target_semaphore(%run_scoped3A_23 : memref<!tpu.dma_semaphore, #tpu.memory_space<semaphore_mem>>)
      %dma_wait3A = arith.constant 0 : i32
      %dma_wait3A_35 = arith.constant 0 : i32
      %dma_wait3A_36 = tpu.memref_slice %arg2[%run_scoped3A_15, %dma_wait3A, %dma_wait3A_35] : memref<2x10240x128xf32, #tpu.memory_space<hbm>> -> memref<1x10240x128xf32, #tpu.memory_space<hbm>>
      %dma_wait3A_37 = tpu.memref_squeeze %dma_wait3A_36 : memref<1x10240x128xf32, #tpu.memory_space<hbm>> -> memref<10240x128xf32, #tpu.memory_space<hbm>>
      %dma_wait3A_38 = arith.constant 0 : i32
      %dma_wait3A_39 = tpu.memref_slice %dma_wait3A_37[%add3A_14, %dma_wait3A_38] : memref<10240x128xf32, #tpu.memory_space<hbm>> -> memref<160x128xf32, #tpu.memory_space<hbm>>
      %dma_wait3A_40 = arith.constant 0 : i32
      %dma_wait3A_41 = arith.constant 0 : i32
      %dma_wait3A_42 = tpu.memref_slice %arg2[%run_scoped3A_15, %dma_wait3A_40, %dma_wait3A_41] : memref<2x10240x128xf32, #tpu.memory_space<hbm>> -> memref<1x10240x128xf32, #tpu.memory_space<hbm>>
      %dma_wait3A_43 = tpu.memref_squeeze %dma_wait3A_42 : memref<1x10240x128xf32, #tpu.memory_space<hbm>> -> memref<10240x128xf32, #tpu.memory_space<hbm>>
      %dma_wait3A_44 = arith.constant 0 : i32
      %dma_wait3A_45 = tpu.memref_slice %dma_wait3A_43[%add3A_14, %dma_wait3A_44] : memref<10240x128xf32, #tpu.memory_space<hbm>> -> memref<160x128xf32, #tpu.memory_space<hbm>>
      tpu.wait_dma2 semaphore(%run_scoped3A_23 : memref<!tpu.dma_semaphore, #tpu.memory_space<semaphore_mem>>) src(%dma_wait3A_45 : memref<160x128xf32, #tpu.memory_space<hbm>>) dst(%arg5 : memref<160x128xf32, #tpu.memory_space<vmem>>)
      tpu.yield
    }) : () -> ()
    %run_scoped3A_16 = arith.constant 1 : i32
    "tpu.region"() ({
      %run_scoped3A_23 = tpu.sem_alloc : memref<!tpu.dma_semaphore, #tpu.memory_space<semaphore_mem>>
      %dma_start3A = arith.constant 0 : i32
      %dma_start3A_24 = arith.constant 0 : i32
      %dma_start3A_25 = tpu.memref_slice %arg2[%run_scoped3A_16, %dma_start3A, %dma_start3A_24] : memref<2x10240x128xf32, #tpu.memory_space<hbm>> -> memref<1x10240x128xf32, #tpu.memory_space<hbm>>
      %dma_start3A_26 = tpu.memref_squeeze %dma_start3A_25 : memref<1x10240x128xf32, #tpu.memory_space<hbm>> -> memref<10240x128xf32, #tpu.memory_space<hbm>>
      %dma_start3A_27 = arith.constant 0 : i32
      %dma_start3A_28 = tpu.memref_slice %dma_start3A_26[%add3A_14, %dma_start3A_27] : memref<10240x128xf32, #tpu.memory_space<hbm>> -> memref<160x128xf32, #tpu.memory_space<hbm>>
      %dma_start3A_29 = arith.constant 0 : i32
      %dma_start3A_30 = arith.constant 0 : i32
      %dma_start3A_31 = tpu.memref_slice %arg2[%run_scoped3A_16, %dma_start3A_29, %dma_start3A_30] : memref<2x10240x128xf32, #tpu.memory_space<hbm>> -> memref<1x10240x128xf32, #tpu.memory_space<hbm>>
      %dma_start3A_32 = tpu.memref_squeeze %dma_start3A_31 : memref<1x10240x128xf32, #tpu.memory_space<hbm>> -> memref<10240x128xf32, #tpu.memory_space<hbm>>
      %dma_start3A_33 = arith.constant 0 : i32
      %dma_start3A_34 = tpu.memref_slice %dma_start3A_32[%add3A_14, %dma_start3A_33] : memref<10240x128xf32, #tpu.memory_space<hbm>> -> memref<160x128xf32, #tpu.memory_space<hbm>>
      tpu.enqueue_dma source(%dma_start3A_34 : memref<160x128xf32, #tpu.memory_space<hbm>>) target(%arg6 : memref<160x128xf32, #tpu.memory_space<vmem>>) target_semaphore(%run_scoped3A_23 : memref<!tpu.dma_semaphore, #tpu.memory_space<semaphore_mem>>)
      %dma_wait3A = arith.constant 0 : i32
      %dma_wait3A_35 = arith.constant 0 : i32
      %dma_wait3A_36 = tpu.memref_slice %arg2[%run_scoped3A_16, %dma_wait3A, %dma_wait3A_35] : memref<2x10240x128xf32, #tpu.memory_space<hbm>> -> memref<1x10240x128xf32, #tpu.memory_space<hbm>>
      %dma_wait3A_37 = tpu.memref_squeeze %dma_wait3A_36 : memref<1x10240x128xf32, #tpu.memory_space<hbm>> -> memref<10240x128xf32, #tpu.memory_space<hbm>>
      %dma_wait3A_38 = arith.constant 0 : i32
      %dma_wait3A_39 = tpu.memref_slice %dma_wait3A_37[%add3A_14, %dma_wait3A_38] : memref<10240x128xf32, #tpu.memory_space<hbm>> -> memref<160x128xf32, #tpu.memory_space<hbm>>
      %dma_wait3A_40 = arith.constant 0 : i32
      %dma_wait3A_41 = arith.constant 0 : i32
      %dma_wait3A_42 = tpu.memref_slice %arg2[%run_scoped3A_16, %dma_wait3A_40, %dma_wait3A_41] : memref<2x10240x128xf32, #tpu.memory_space<hbm>> -> memref<1x10240x128xf32, #tpu.memory_space<hbm>>
      %dma_wait3A_43 = tpu.memref_squeeze %dma_wait3A_42 : memref<1x10240x128xf32, #tpu.memory_space<hbm>> -> memref<10240x128xf32, #tpu.memory_space<hbm>>
      %dma_wait3A_44 = arith.constant 0 : i32
      %dma_wait3A_45 = tpu.memref_slice %dma_wait3A_43[%add3A_14, %dma_wait3A_44] : memref<10240x128xf32, #tpu.memory_space<hbm>> -> memref<160x128xf32, #tpu.memory_space<hbm>>
      tpu.wait_dma2 semaphore(%run_scoped3A_23 : memref<!tpu.dma_semaphore, #tpu.memory_space<semaphore_mem>>) src(%dma_wait3A_45 : memref<160x128xf32, #tpu.memory_space<hbm>>) dst(%arg6 : memref<160x128xf32, #tpu.memory_space<vmem>>)
      tpu.yield
    }) : () -> ()
    "tpu.region"() ({
      %run_scoped3A_23 = tpu.sem_alloc : memref<!tpu.dma_semaphore, #tpu.memory_space<semaphore_mem>>
      %dma_start3A = arith.constant 0 : i32
      %dma_start3A_24 = tpu.memref_slice %arg3[%add3A_14, %dma_start3A] : memref<10240x128xf32, #tpu.memory_space<hbm>> -> memref<160x128xf32, #tpu.memory_space<hbm>>
      %dma_start3A_25 = arith.constant 0 : i32
      %dma_start3A_26 = tpu.memref_slice %arg3[%add3A_14, %dma_start3A_25] : memref<10240x128xf32, #tpu.memory_space<hbm>> -> memref<160x128xf32, #tpu.memory_space<hbm>>
      tpu.enqueue_dma source(%dma_start3A_26 : memref<160x128xf32, #tpu.memory_space<hbm>>) target(%arg7 : memref<160x128xf32, #tpu.memory_space<vmem>>) target_semaphore(%run_scoped3A_23 : memref<!tpu.dma_semaphore, #tpu.memory_space<semaphore_mem>>)
      %dma_wait3A = arith.constant 0 : i32
      %dma_wait3A_27 = tpu.memref_slice %arg3[%add3A_14, %dma_wait3A] : memref<10240x128xf32, #tpu.memory_space<hbm>> -> memref<160x128xf32, #tpu.memory_space<hbm>>
      %dma_wait3A_28 = arith.constant 0 : i32
      %dma_wait3A_29 = tpu.memref_slice %arg3[%add3A_14, %dma_wait3A_28] : memref<10240x128xf32, #tpu.memory_space<hbm>> -> memref<160x128xf32, #tpu.memory_space<hbm>>
      tpu.wait_dma2 semaphore(%run_scoped3A_23 : memref<!tpu.dma_semaphore, #tpu.memory_space<semaphore_mem>>) src(%dma_wait3A_29 : memref<160x128xf32, #tpu.memory_space<hbm>>) dst(%arg7 : memref<160x128xf32, #tpu.memory_space<vmem>>)
      tpu.yield
    }) : () -> ()
    %scan3A_17 = arith.constant 0 : i32
    %scan3A_18 = arith.constant 0 : i32
    %scan3A_19 = arith.constant 160 : i32
    %scan3A_20 = arith.addi %scan3A_18, %scan3A_19 : i32
    %scan3A_21 = arith.constant 1 : i32
    scf.for %scan3A_23 = %scan3A_18 to %scan3A_20 step %scan3A_21  : i32 {
      %get3A = arith.index_cast %scan3A_23 : i32 to index
      %get3A_24 = arith.constant 0 : index
      %get3A_25 = tpu.vector_load %arg5[%get3A, %get3A_24] {strides = array<i32>} : memref<160x128xf32, #tpu.memory_space<vmem>>, vector<1x16xf32>,
      %get3A_26 = vector.shape_cast %get3A_25 : vector<1x16xf32> to vector<16xf32>
      %get3A_27 = arith.index_cast %scan3A_23 : i32 to index
      %get3A_28 = arith.constant 0 : index
      %get3A_29 = tpu.vector_load %arg6[%get3A_27, %get3A_28] {strides = array<i32>} : memref<160x128xf32, #tpu.memory_space<vmem>>, vector<1x16xf32>,
      %get3A_30 = vector.shape_cast %get3A_29 : vector<1x16xf32> to vector<16xf32>
      %add3A_31 = arith.addf %get3A_26, %get3A_30 : vector<16xf32>
      %get3A_32 = arith.index_cast %scan3A_23 : i32 to index
      %get3A_33 = arith.constant 0 : index
      %get3A_34 = tpu.vector_load %arg7[%get3A_32, %get3A_33] {strides = array<i32>} : memref<160x128xf32, #tpu.memory_space<vmem>>, vector<1x16xf32>,
      %get3A_35 = vector.shape_cast %get3A_34 : vector<1x16xf32> to vector<16xf32>
      %sub3A = arith.subf %add3A_31, %get3A_35 : vector<16xf32>
      %swap3A = arith.index_cast %scan3A_23 : i32 to index
      %swap3A_36 = arith.constant 0 : index
      %swap3A_37 = tpu.vector_load %arg5[%swap3A, %swap3A_36] {strides = array<i32>} : memref<160x128xf32, #tpu.memory_space<vmem>>, vector<1x16xf32>,
      %swap3A_38 = vector.shape_cast %swap3A_37 : vector<1x16xf32> to vector<16xf32>
      %swap3A_39 = vector.shape_cast %sub3A : vector<16xf32> to vector<1x16xf32>
      tpu.vector_store %arg5[%swap3A, %swap3A_36], %swap3A_39 {strides = array<i32>} : memref<160x128xf32, #tpu.memory_space<vmem>>, vector<1x16xf32>,
      %get3A_40 = arith.index_cast %scan3A_23 : i32 to index
      %get3A_41 = arith.constant 16 : index
      %get3A_42 = tpu.vector_load %arg5[%get3A_40, %get3A_41] {strides = array<i32>} : memref<160x128xf32, #tpu.memory_space<vmem>>, vector<1x16xf32>,
      %get3A_43 = vector.shape_cast %get3A_42 : vector<1x16xf32> to vector<16xf32>
      %get3A_44 = arith.index_cast %scan3A_23 : i32 to index
      %get3A_45 = arith.constant 16 : index
      %get3A_46 = tpu.vector_load %arg6[%get3A_44, %get3A_45] {strides = array<i32>} : memref<160x128xf32, #tpu.memory_space<vmem>>, vector<1x16xf32>,
      %get3A_47 = vector.shape_cast %get3A_46 : vector<1x16xf32> to vector<16xf32>
      %add3A_48 = arith.addf %get3A_43, %get3A_47 : vector<16xf32>
      %get3A_49 = arith.index_cast %scan3A_23 : i32 to index
      %get3A_50 = arith.constant 16 : index
      %get3A_51 = tpu.vector_load %arg7[%get3A_49, %get3A_50] {strides = array<i32>} : memref<160x128xf32, #tpu.memory_space<vmem>>, vector<1x16xf32>,
      %get3A_52 = vector.shape_cast %get3A_51 : vector<1x16xf32> to vector<16xf32>
      %sub3A_53 = arith.subf %add3A_48, %get3A_52 : vector<16xf32>
      %swap3A_54 = arith.index_cast %scan3A_23 : i32 to index
      %swap3A_55 = arith.constant 16 : index
      %swap3A_56 = tpu.vector_load %arg5[%swap3A_54, %swap3A_55] {strides = array<i32>} : memref<160x128xf32, #tpu.memory_space<vmem>>, vector<1x16xf32>,
      %swap3A_57 = vector.shape_cast %swap3A_56 : vector<1x16xf32> to vector<16xf32>
      %swap3A_58 = vector.shape_cast %sub3A_53 : vector<16xf32> to vector<1x16xf32>
      tpu.vector_store %arg5[%swap3A_54, %swap3A_55], %swap3A_58 {strides = array<i32>} : memref<160x128xf32, #tpu.memory_space<vmem>>, vector<1x16xf32>,
      %get3A_59 = arith.index_cast %scan3A_23 : i32 to index
      %get3A_60 = arith.constant 32 : index
      %get3A_61 = tpu.vector_load %arg5[%get3A_59, %get3A_60] {strides = array<i32>} : memref<160x128xf32, #tpu.memory_space<vmem>>, vector<1x16xf32>,
      %get3A_62 = vector.shape_cast %get3A_61 : vector<1x16xf32> to vector<16xf32>
      %get3A_63 = arith.index_cast %scan3A_23 : i32 to index
      %get3A_64 = arith.constant 32 : index
      %get3A_65 = tpu.vector_load %arg6[%get3A_63, %get3A_64] {strides = array<i32>} : memref<160x128xf32, #tpu.memory_space<vmem>>, vector<1x16xf32>,
      %get3A_66 = vector.shape_cast %get3A_65 : vector<1x16xf32> to vector<16xf32>
      %add3A_67 = arith.addf %get3A_62, %get3A_66 : vector<16xf32>
      %get3A_68 = arith.index_cast %scan3A_23 : i32 to index
      %get3A_69 = arith.constant 32 : index
      %get3A_70 = tpu.vector_load %arg7[%get3A_68, %get3A_69] {strides = array<i32>} : memref<160x128xf32, #tpu.memory_space<vmem>>, vector<1x16xf32>,
      %get3A_71 = vector.shape_cast %get3A_70 : vector<1x16xf32> to vector<16xf32>
      %sub3A_72 = arith.subf %add3A_67, %get3A_71 : vector<16xf32>
      %swap3A_73 = arith.index_cast %scan3A_23 : i32 to index
      %swap3A_74 = arith.constant 32 : index
      %swap3A_75 = tpu.vector_load %arg5[%swap3A_73, %swap3A_74] {strides = array<i32>} : memref<160x128xf32, #tpu.memory_space<vmem>>, vector<1x16xf32>,
      %swap3A_76 = vector.shape_cast %swap3A_75 : vector<1x16xf32> to vector<16xf32>
      %swap3A_77 = vector.shape_cast %sub3A_72 : vector<16xf32> to vector<1x16xf32>
      tpu.vector_store %arg5[%swap3A_73, %swap3A_74], %swap3A_77 {strides = array<i32>} : memref<160x128xf32, #tpu.memory_space<vmem>>, vector<1x16xf32>,
      %get3A_78 = arith.index_cast %scan3A_23 : i32 to index
      %get3A_79 = arith.constant 48 : index
      %get3A_80 = tpu.vector_load %arg5[%get3A_78, %get3A_79] {strides = array<i32>} : memref<160x128xf32, #tpu.memory_space<vmem>>, vector<1x16xf32>,
      %get3A_81 = vector.shape_cast %get3A_80 : vector<1x16xf32> to vector<16xf32>
      %get3A_82 = arith.index_cast %scan3A_23 : i32 to index
      %get3A_83 = arith.constant 48 : index
      %get3A_84 = tpu.vector_load %arg6[%get3A_82, %get3A_83] {strides = array<i32>} : memref<160x128xf32, #tpu.memory_space<vmem>>, vector<1x16xf32>,
      %get3A_85 = vector.shape_cast %get3A_84 : vector<1x16xf32> to vector<16xf32>
      %add3A_86 = arith.addf %get3A_81, %get3A_85 : vector<16xf32>
      %get3A_87 = arith.index_cast %scan3A_23 : i32 to index
      %get3A_88 = arith.constant 48 : index
      %get3A_89 = tpu.vector_load %arg7[%get3A_87, %get3A_88] {strides = array<i32>} : memref<160x128xf32, #tpu.memory_space<vmem>>, vector<1x16xf32>,
      %get3A_90 = vector.shape_cast %get3A_89 : vector<1x16xf32> to vector<16xf32>
      %sub3A_91 = arith.subf %add3A_86, %get3A_90 : vector<16xf32>
      %swap3A_92 = arith.index_cast %scan3A_23 : i32 to index
      %swap3A_93 = arith.constant 48 : index
      %swap3A_94 = tpu.vector_load %arg5[%swap3A_92, %swap3A_93] {strides = array<i32>} : memref<160x128xf32, #tpu.memory_space<vmem>>, vector<1x16xf32>,
      %swap3A_95 = vector.shape_cast %swap3A_94 : vector<1x16xf32> to vector<16xf32>
      %swap3A_96 = vector.shape_cast %sub3A_91 : vector<16xf32> to vector<1x16xf32>
      tpu.vector_store %arg5[%swap3A_92, %swap3A_93], %swap3A_96 {strides = array<i32>} : memref<160x128xf32, #tpu.memory_space<vmem>>, vector<1x16xf32>,
      %get3A_97 = arith.index_cast %scan3A_23 : i32 to index
      %get3A_98 = arith.constant 64 : index
      %get3A_99 = tpu.vector_load %arg5[%get3A_97, %get3A_98] {strides = array<i32>} : memref<160x128xf32, #tpu.memory_space<vmem>>, vector<1x16xf32>,
      %get3A_100 = vector.shape_cast %get3A_99 : vector<1x16xf32> to vector<16xf32>
      %get3A_101 = arith.index_cast %scan3A_23 : i32 to index
      %get3A_102 = arith.constant 64 : index
      %get3A_103 = tpu.vector_load %arg6[%get3A_101, %get3A_102] {strides = array<i32>} : memref<160x128xf32, #tpu.memory_space<vmem>>, vector<1x16xf32>,
      %get3A_104 = vector.shape_cast %get3A_103 : vector<1x16xf32> to vector<16xf32>
      %add3A_105 = arith.addf %get3A_100, %get3A_104 : vector<16xf32>
      %get3A_106 = arith.index_cast %scan3A_23 : i32 to index
      %get3A_107 = arith.constant 64 : index
      %get3A_108 = tpu.vector_load %arg7[%get3A_106, %get3A_107] {strides = array<i32>} : memref<160x128xf32, #tpu.memory_space<vmem>>, vector<1x16xf32>,
      %get3A_109 = vector.shape_cast %get3A_108 : vector<1x16xf32> to vector<16xf32>
      %sub3A_110 = arith.subf %add3A_105, %get3A_109 : vector<16xf32>
      %swap3A_111 = arith.index_cast %scan3A_23 : i32 to index
      %swap3A_112 = arith.constant 64 : index
      %swap3A_113 = tpu.vector_load %arg5[%swap3A_111, %swap3A_112] {strides = array<i32>} : memref<160x128xf32, #tpu.memory_space<vmem>>, vector<1x16xf32>,
      %swap3A_114 = vector.shape_cast %swap3A_113 : vector<1x16xf32> to vector<16xf32>
      %swap3A_115 = vector.shape_cast %sub3A_110 : vector<16xf32> to vector<1x16xf32>
      tpu.vector_store %arg5[%swap3A_111, %swap3A_112], %swap3A_115 {strides = array<i32>} : memref<160x128xf32, #tpu.memory_space<vmem>>, vector<1x16xf32>,
      %get3A_116 = arith.index_cast %scan3A_23 : i32 to index
      %get3A_117 = arith.constant 80 : index
      %get3A_118 = tpu.vector_load %arg5[%get3A_116, %get3A_117] {strides = array<i32>} : memref<160x128xf32, #tpu.memory_space<vmem>>, vector<1x16xf32>,
      %get3A_119 = vector.shape_cast %get3A_118 : vector<1x16xf32> to vector<16xf32>
      %get3A_120 = arith.index_cast %scan3A_23 : i32 to index
      %get3A_121 = arith.constant 80 : index
      %get3A_122 = tpu.vector_load %arg6[%get3A_120, %get3A_121] {strides = array<i32>} : memref<160x128xf32, #tpu.memory_space<vmem>>, vector<1x16xf32>,
      %get3A_123 = vector.shape_cast %get3A_122 : vector<1x16xf32> to vector<16xf32>
      %add3A_124 = arith.addf %get3A_119, %get3A_123 : vector<16xf32>
      %get3A_125 = arith.index_cast %scan3A_23 : i32 to index
      %get3A_126 = arith.constant 80 : index
      %get3A_127 = tpu.vector_load %arg7[%get3A_125, %get3A_126] {strides = array<i32>} : memref<160x128xf32, #tpu.memory_space<vmem>>, vector<1x16xf32>,
      %get3A_128 = vector.shape_cast %get3A_127 : vector<1x16xf32> to vector<16xf32>
      %sub3A_129 = arith.subf %add3A_124, %get3A_128 : vector<16xf32>
      %swap3A_130 = arith.index_cast %scan3A_23 : i32 to index
      %swap3A_131 = arith.constant 80 : index
      %swap3A_132 = tpu.vector_load %arg5[%swap3A_130, %swap3A_131] {strides = array<i32>} : memref<160x128xf32, #tpu.memory_space<vmem>>, vector<1x16xf32>,
      %swap3A_133 = vector.shape_cast %swap3A_132 : vector<1x16xf32> to vector<16xf32>
      %swap3A_134 = vector.shape_cast %sub3A_129 : vector<16xf32> to vector<1x16xf32>
      tpu.vector_store %arg5[%swap3A_130, %swap3A_131], %swap3A_134 {strides = array<i32>} : memref<160x128xf32, #tpu.memory_space<vmem>>, vector<1x16xf32>,
      %get3A_135 = arith.index_cast %scan3A_23 : i32 to index
      %get3A_136 = arith.constant 96 : index
      %get3A_137 = tpu.vector_load %arg5[%get3A_135, %get3A_136] {strides = array<i32>} : memref<160x128xf32, #tpu.memory_space<vmem>>, vector<1x16xf32>,
      %get3A_138 = vector.shape_cast %get3A_137 : vector<1x16xf32> to vector<16xf32>
      %get3A_139 = arith.index_cast %scan3A_23 : i32 to index
      %get3A_140 = arith.constant 96 : index
      %get3A_141 = tpu.vector_load %arg6[%get3A_139, %get3A_140] {strides = array<i32>} : memref<160x128xf32, #tpu.memory_space<vmem>>, vector<1x16xf32>,
      %get3A_142 = vector.shape_cast %get3A_141 : vector<1x16xf32> to vector<16xf32>
      %add3A_143 = arith.addf %get3A_138, %get3A_142 : vector<16xf32>
      %get3A_144 = arith.index_cast %scan3A_23 : i32 to index
      %get3A_145 = arith.constant 96 : index
      %get3A_146 = tpu.vector_load %arg7[%get3A_144, %get3A_145] {strides = array<i32>} : memref<160x128xf32, #tpu.memory_space<vmem>>, vector<1x16xf32>,
      %get3A_147 = vector.shape_cast %get3A_146 : vector<1x16xf32> to vector<16xf32>
      %sub3A_148 = arith.subf %add3A_143, %get3A_147 : vector<16xf32>
      %swap3A_149 = arith.index_cast %scan3A_23 : i32 to index
      %swap3A_150 = arith.constant 96 : index
      %swap3A_151 = tpu.vector_load %arg5[%swap3A_149, %swap3A_150] {strides = array<i32>} : memref<160x128xf32, #tpu.memory_space<vmem>>, vector<1x16xf32>,
      %swap3A_152 = vector.shape_cast %swap3A_151 : vector<1x16xf32> to vector<16xf32>
      %swap3A_153 = vector.shape_cast %sub3A_148 : vector<16xf32> to vector<1x16xf32>
      tpu.vector_store %arg5[%swap3A_149, %swap3A_150], %swap3A_153 {strides = array<i32>} : memref<160x128xf32, #tpu.memory_space<vmem>>, vector<1x16xf32>,
      %get3A_154 = arith.index_cast %scan3A_23 : i32 to index
      %get3A_155 = arith.constant 112 : index
      %get3A_156 = tpu.vector_load %arg5[%get3A_154, %get3A_155] {strides = array<i32>} : memref<160x128xf32, #tpu.memory_space<vmem>>, vector<1x16xf32>,
      %get3A_157 = vector.shape_cast %get3A_156 : vector<1x16xf32> to vector<16xf32>
      %get3A_158 = arith.index_cast %scan3A_23 : i32 to index
      %get3A_159 = arith.constant 112 : index
      %get3A_160 = tpu.vector_load %arg6[%get3A_158, %get3A_159] {strides = array<i32>} : memref<160x128xf32, #tpu.memory_space<vmem>>, vector<1x16xf32>,
      %get3A_161 = vector.shape_cast %get3A_160 : vector<1x16xf32> to vector<16xf32>
      %add3A_162 = arith.addf %get3A_157, %get3A_161 : vector<16xf32>
      %get3A_163 = arith.index_cast %scan3A_23 : i32 to index
      %get3A_164 = arith.constant 112 : index
      %get3A_165 = tpu.vector_load %arg7[%get3A_163, %get3A_164] {strides = array<i32>} : memref<160x128xf32, #tpu.memory_space<vmem>>, vector<1x16xf32>,
      %get3A_166 = vector.shape_cast %get3A_165 : vector<1x16xf32> to vector<16xf32>
      %sub3A_167 = arith.subf %add3A_162, %get3A_166 : vector<16xf32>
      %swap3A_168 = arith.index_cast %scan3A_23 : i32 to index
      %swap3A_169 = arith.constant 112 : index
      %swap3A_170 = tpu.vector_load %arg5[%swap3A_168, %swap3A_169] {strides = array<i32>} : memref<160x128xf32, #tpu.memory_space<vmem>>, vector<1x16xf32>,
      %swap3A_171 = vector.shape_cast %swap3A_170 : vector<1x16xf32> to vector<16xf32>
      %swap3A_172 = vector.shape_cast %sub3A_167 : vector<16xf32> to vector<1x16xf32>
      tpu.vector_store %arg5[%swap3A_168, %swap3A_169], %swap3A_172 {strides = array<i32>} : memref<160x128xf32, #tpu.memory_space<vmem>>, vector<1x16xf32>,
    }
    %scan3A_22 = arith.constant 160 : i32
    "tpu.region"() ({
      %run_scoped3A_23 = tpu.sem_alloc : memref<!tpu.dma_semaphore, #tpu.memory_space<semaphore_mem>>
      %dma_start3A = arith.constant 0 : i32
      %dma_start3A_24 = tpu.memref_slice %arg4[%add3A_14, %dma_start3A] : memref<10240x128xf32, #tpu.memory_space<hbm>> -> memref<160x128xf32, #tpu.memory_space<hbm>>
      %dma_start3A_25 = arith.constant 0 : i32
      %dma_start3A_26 = tpu.memref_slice %arg4[%add3A_14, %dma_start3A_25] : memref<10240x128xf32, #tpu.memory_space<hbm>> -> memref<160x128xf32, #tpu.memory_space<hbm>>
      tpu.enqueue_dma source(%arg5 : memref<160x128xf32, #tpu.memory_space<vmem>>) target(%dma_start3A_26 : memref<160x128xf32, #tpu.memory_space<hbm>>) target_semaphore(%run_scoped3A_23 : memref<!tpu.dma_semaphore, #tpu.memory_space<semaphore_mem>>)
      %dma_wait3A = arith.constant 0 : i32
      %dma_wait3A_27 = tpu.memref_slice %arg4[%add3A_14, %dma_wait3A] : memref<10240x128xf32, #tpu.memory_space<hbm>> -> memref<160x128xf32, #tpu.memory_space<hbm>>
      %dma_wait3A_28 = arith.constant 0 : i32
      %dma_wait3A_29 = tpu.memref_slice %arg4[%add3A_14, %dma_wait3A_28] : memref<10240x128xf32, #tpu.memory_space<hbm>> -> memref<160x128xf32, #tpu.memory_space<hbm>>
      tpu.wait_dma2 semaphore(%run_scoped3A_23 : memref<!tpu.dma_semaphore, #tpu.memory_space<semaphore_mem>>) src(%arg5 : memref<160x128xf32, #tpu.memory_space<vmem>>) dst(%dma_wait3A_29 : memref<160x128xf32, #tpu.memory_space<hbm>>)
      tpu.yield
    }) : () -> ()
    return
  }
}

#map = affine_map<(d0, d1) -> (0, 0)>
module attributes {stable_mosaic.version = 14 : i64} {
  func.func @_phase2(%arg0: i32, %arg1: i32, %arg2: memref<4096x80xi32, #tpu.memory_space<hbm>>, %arg3: memref<320000x128xf32, #tpu.memory_space<hbm>>, %arg4: memref<10240x128xf32, #tpu.memory_space<hbm>>, %arg5: memref<320000x128xf32, #tpu.memory_space<hbm>>, %arg6: memref<128x80xi32, #tpu.memory_space<vmem>>, %arg7: memref<80x128xf32, #tpu.memory_space<vmem>>, %arg8: memref<80x128xf32, #tpu.memory_space<vmem>>, %arg9: memref<80x128xf32, #tpu.memory_space<vmem>>, %arg10: memref<80x128xf32, #tpu.memory_space<vmem>>, %arg11: memref<!tpu.dma_semaphore, #tpu.memory_space<semaphore_mem>>, %arg12: memref<!tpu.dma_semaphore, #tpu.memory_space<semaphore_mem>>, %arg13: memref<!tpu.dma_semaphore, #tpu.memory_space<semaphore_mem>>, %arg14: memref<!tpu.dma_semaphore, #tpu.memory_space<semaphore_mem>>) attributes {dimension_semantics = [#tpu.dimension_semantics<core_parallel>, #tpu.dimension_semantics<subcore_parallel>], iteration_bounds = array<i64: 2, 16>, scalar_prefetch = 0 : i64, scratch_operands = 9 : i64, tpu.core_type = #tpu.core_type<sc_vector_subcore>, window_params = [{transform_indices = #map}, {transform_indices = #map}, {transform_indices = #map}, {transform_indices = #map}]} {
    %mul3A = arith.constant 2 : i32
    %mul3A_0 = arith.muli %arg1, %mul3A : i32
    %add3A = arith.addi %mul3A_0, %arg0 : i32
    %mul3A_1 = arith.constant 128 : i32
    %mul3A_2 = arith.muli %add3A, %mul3A_1 : i32
    "tpu.region"() ({
      %run_scoped3A = tpu.sem_alloc : memref<!tpu.dma_semaphore, #tpu.memory_space<semaphore_mem>>
      %dma_start3A_82 = arith.constant 0 : i32
      %dma_start3A_83 = tpu.memref_slice %arg2[%mul3A_2, %dma_start3A_82] : memref<4096x80xi32, #tpu.memory_space<hbm>> -> memref<128x80xi32, #tpu.memory_space<hbm>>
      %dma_start3A_84 = arith.constant 0 : i32
      %dma_start3A_85 = tpu.memref_slice %arg2[%mul3A_2, %dma_start3A_84] : memref<4096x80xi32, #tpu.memory_space<hbm>> -> memref<128x80xi32, #tpu.memory_space<hbm>>
      tpu.enqueue_dma source(%dma_start3A_85 : memref<128x80xi32, #tpu.memory_space<hbm>>) target(%arg6 : memref<128x80xi32, #tpu.memory_space<vmem>>) target_semaphore(%run_scoped3A : memref<!tpu.dma_semaphore, #tpu.memory_space<semaphore_mem>>)
      %dma_wait3A_86 = arith.constant 0 : i32
      %dma_wait3A_87 = tpu.memref_slice %arg2[%mul3A_2, %dma_wait3A_86] : memref<4096x80xi32, #tpu.memory_space<hbm>> -> memref<128x80xi32, #tpu.memory_space<hbm>>
      %dma_wait3A_88 = arith.constant 0 : i32
      %dma_wait3A_89 = tpu.memref_slice %arg2[%mul3A_2, %dma_wait3A_88] : memref<4096x80xi32, #tpu.memory_space<hbm>> -> memref<128x80xi32, #tpu.memory_space<hbm>>
      tpu.wait_dma2 semaphore(%run_scoped3A : memref<!tpu.dma_semaphore, #tpu.memory_space<semaphore_mem>>) src(%dma_wait3A_89 : memref<128x80xi32, #tpu.memory_space<hbm>>) dst(%arg6 : memref<128x80xi32, #tpu.memory_space<vmem>>)
      tpu.yield
    }) : () -> ()
    %mul3A_3 = arith.constant 10000 : i32
    %mul3A_4 = arith.muli %add3A, %mul3A_3 : i32
    %add3A_5 = arith.constant 0 : i32
    %add3A_6 = arith.addi %mul3A_4, %add3A_5 : i32
    %dma_start3A = arith.constant 0 : i32
    %dma_start3A_7 = tpu.memref_slice %arg3[%add3A_6, %dma_start3A] : memref<320000x128xf32, #tpu.memory_space<hbm>> -> memref<80x128xf32, #tpu.memory_space<hbm>>
    %dma_start3A_8 = arith.constant 0 : i32
    %dma_start3A_9 = tpu.memref_slice %arg3[%add3A_6, %dma_start3A_8] : memref<320000x128xf32, #tpu.memory_space<hbm>> -> memref<80x128xf32, #tpu.memory_space<hbm>>
    tpu.enqueue_dma source(%dma_start3A_9 : memref<80x128xf32, #tpu.memory_space<hbm>>) target(%arg7 : memref<80x128xf32, #tpu.memory_space<vmem>>) target_semaphore(%arg11 : memref<!tpu.dma_semaphore, #tpu.memory_space<semaphore_mem>>)
    %dma_start3A_10 = arith.constant 0 : i32
    %dma_start3A_11 = arith.constant 0 : i32
    %dma_start3A_12 = tpu.memref_slice %arg6[%dma_start3A_10, %dma_start3A_11] : memref<128x80xi32, #tpu.memory_space<vmem>> -> memref<1x80xi32, #tpu.memory_space<vmem>>
    %dma_start3A_13 = tpu.memref_squeeze %dma_start3A_12 : memref<1x80xi32, #tpu.memory_space<vmem>> -> memref<80xi32, #tpu.memory_space<vmem>>
    %dma_start3A_14 = arith.constant 0 : i32
    %dma_start3A_15 = arith.constant 0 : i32
    %dma_start3A_16 = tpu.memref_slice %arg4[%dma_start3A_14, %dma_start3A_15] : memref<10240x128xf32, #tpu.memory_space<hbm>> -> memref<10240x128xf32, #tpu.memory_space<hbm>>
    tpu.enqueue_indirect_dma source(%dma_start3A_16 : memref<10240x128xf32, #tpu.memory_space<hbm>>) target(%arg9 : memref<80x128xf32, #tpu.memory_space<vmem>>) offsets(%dma_start3A_13 : memref<80xi32, #tpu.memory_space<vmem>>) semaphore(%arg11 : memref<!tpu.dma_semaphore, #tpu.memory_space<semaphore_mem>>)
    %mul3A_17 = arith.constant 10000 : i32
    %mul3A_18 = arith.muli %add3A, %mul3A_17 : i32
    %add3A_19 = arith.constant 0 : i32
    %add3A_20 = arith.addi %mul3A_18, %add3A_19 : i32
    %dma_wait3A = arith.constant 0 : i32
    %dma_wait3A_21 = tpu.memref_slice %arg3[%add3A_20, %dma_wait3A] : memref<320000x128xf32, #tpu.memory_space<hbm>> -> memref<80x128xf32, #tpu.memory_space<hbm>>
    %dma_wait3A_22 = arith.constant 0 : i32
    %dma_wait3A_23 = tpu.memref_slice %arg3[%add3A_20, %dma_wait3A_22] : memref<320000x128xf32, #tpu.memory_space<hbm>> -> memref<80x128xf32, #tpu.memory_space<hbm>>
    tpu.wait_dma2 semaphore(%arg11 : memref<!tpu.dma_semaphore, #tpu.memory_space<semaphore_mem>>) src(%dma_wait3A_23 : memref<80x128xf32, #tpu.memory_space<hbm>>) dst(%arg7 : memref<80x128xf32, #tpu.memory_space<vmem>>)
    %mul3A_24 = arith.constant 10000 : i32
    %mul3A_25 = arith.muli %add3A, %mul3A_24 : i32
    %add3A_26 = arith.constant 0 : i32
    %add3A_27 = arith.addi %mul3A_25, %add3A_26 : i32
    %dma_wait3A_28 = arith.constant 0 : i32
    %dma_wait3A_29 = tpu.memref_slice %arg3[%add3A_27, %dma_wait3A_28] : memref<320000x128xf32, #tpu.memory_space<hbm>> -> memref<80x128xf32, #tpu.memory_space<hbm>>
    %dma_wait3A_30 = arith.constant 0 : i32
    %dma_wait3A_31 = tpu.memref_slice %arg3[%add3A_27, %dma_wait3A_30] : memref<320000x128xf32, #tpu.memory_space<hbm>> -> memref<80x128xf32, #tpu.memory_space<hbm>>
    tpu.wait_dma2 semaphore(%arg11 : memref<!tpu.dma_semaphore, #tpu.memory_space<semaphore_mem>>) src(%dma_wait3A_31 : memref<80x128xf32, #tpu.memory_space<hbm>>) dst(%arg9 : memref<80x128xf32, #tpu.memory_space<vmem>>)
    %mul3A_32 = arith.constant 10000 : i32
    %mul3A_33 = arith.muli %add3A, %mul3A_32 : i32
    %add3A_34 = arith.constant 80 : i32
    %add3A_35 = arith.addi %mul3A_33, %add3A_34 : i32
    %dma_start3A_36 = arith.constant 0 : i32
    %dma_start3A_37 = tpu.memref_slice %arg3[%add3A_35, %dma_start3A_36] : memref<320000x128xf32, #tpu.memory_space<hbm>> -> memref<80x128xf32, #tpu.memory_space<hbm>>
    %dma_start3A_38 = arith.constant 0 : i32
    %dma_start3A_39 = tpu.memref_slice %arg3[%add3A_35, %dma_start3A_38] : memref<320000x128xf32, #tpu.memory_space<hbm>> -> memref<80x128xf32, #tpu.memory_space<hbm>>
    tpu.enqueue_dma source(%dma_start3A_39 : memref<80x128xf32, #tpu.memory_space<hbm>>) target(%arg8 : memref<80x128xf32, #tpu.memory_space<vmem>>) target_semaphore(%arg12 : memref<!tpu.dma_semaphore, #tpu.memory_space<semaphore_mem>>)
    %dma_start3A_40 = arith.constant 1 : i32
    %dma_start3A_41 = arith.constant 0 : i32
    %dma_start3A_42 = tpu.memref_slice %arg6[%dma_start3A_40, %dma_start3A_41] : memref<128x80xi32, #tpu.memory_space<vmem>> -> memref<1x80xi32, #tpu.memory_space<vmem>>
    %dma_start3A_43 = tpu.memref_squeeze %dma_start3A_42 : memref<1x80xi32, #tpu.memory_space<vmem>> -> memref<80xi32, #tpu.memory_space<vmem>>
    %dma_start3A_44 = arith.constant 0 : i32
    %dma_start3A_45 = arith.constant 0 : i32
    %dma_start3A_46 = tpu.memref_slice %arg4[%dma_start3A_44, %dma_start3A_45] : memref<10240x128xf32, #tpu.memory_space<hbm>> -> memref<10240x128xf32, #tpu.memory_space<hbm>>
    tpu.enqueue_indirect_dma source(%dma_start3A_46 : memref<10240x128xf32, #tpu.memory_space<hbm>>) target(%arg10 : memref<80x128xf32, #tpu.memory_space<vmem>>) offsets(%dma_start3A_43 : memref<80xi32, #tpu.memory_space<vmem>>) semaphore(%arg12 : memref<!tpu.dma_semaphore, #tpu.memory_space<semaphore_mem>>)
    %scan3A = arith.constant 0 : i32
    %scan3A_47 = arith.constant 0 : i32
    %scan3A_48 = arith.constant 80 : i32
    %scan3A_49 = arith.addi %scan3A_47, %scan3A_48 : i32
    %scan3A_50 = arith.constant 1 : i32
    scf.for %scan3A_82 = %scan3A_47 to %scan3A_49 step %scan3A_50  : i32 {
      %get3A = arith.index_cast %scan3A_82 : i32 to index
      %get3A_83 = arith.constant 0 : index
      %get3A_84 = tpu.vector_load %arg9[%get3A, %get3A_83] {strides = array<i32>} : memref<80x128xf32, #tpu.memory_space<vmem>>, vector<1x16xf32>,
      %get3A_85 = vector.shape_cast %get3A_84 : vector<1x16xf32> to vector<16xf32>
      %get3A_86 = arith.index_cast %scan3A_82 : i32 to index
      %get3A_87 = arith.constant 0 : index
      %get3A_88 = tpu.vector_load %arg7[%get3A_86, %get3A_87] {strides = array<i32>} : memref<80x128xf32, #tpu.memory_space<vmem>>, vector<1x16xf32>,
      %get3A_89 = vector.shape_cast %get3A_88 : vector<1x16xf32> to vector<16xf32>
      %sub3A = arith.subf %get3A_85, %get3A_89 : vector<16xf32>
      %swap3A = arith.index_cast %scan3A_82 : i32 to index
      %swap3A_90 = arith.constant 0 : index
      %swap3A_91 = tpu.vector_load %arg9[%swap3A, %swap3A_90] {strides = array<i32>} : memref<80x128xf32, #tpu.memory_space<vmem>>, vector<1x16xf32>,
      %swap3A_92 = vector.shape_cast %swap3A_91 : vector<1x16xf32> to vector<16xf32>
      %swap3A_93 = vector.shape_cast %sub3A : vector<16xf32> to vector<1x16xf32>
      tpu.vector_store %arg9[%swap3A, %swap3A_90], %swap3A_93 {strides = array<i32>} : memref<80x128xf32, #tpu.memory_space<vmem>>, vector<1x16xf32>,
      %get3A_94 = arith.index_cast %scan3A_82 : i32 to index
      %get3A_95 = arith.constant 16 : index
      %get3A_96 = tpu.vector_load %arg9[%get3A_94, %get3A_95] {strides = array<i32>} : memref<80x128xf32, #tpu.memory_space<vmem>>, vector<1x16xf32>,
      %get3A_97 = vector.shape_cast %get3A_96 : vector<1x16xf32> to vector<16xf32>
      %get3A_98 = arith.index_cast %scan3A_82 : i32 to index
      %get3A_99 = arith.constant 16 : index
      %get3A_100 = tpu.vector_load %arg7[%get3A_98, %get3A_99] {strides = array<i32>} : memref<80x128xf32, #tpu.memory_space<vmem>>, vector<1x16xf32>,
      %get3A_101 = vector.shape_cast %get3A_100 : vector<1x16xf32> to vector<16xf32>
      %sub3A_102 = arith.subf %get3A_97, %get3A_101 : vector<16xf32>
      %swap3A_103 = arith.index_cast %scan3A_82 : i32 to index
      %swap3A_104 = arith.constant 16 : index
      %swap3A_105 = tpu.vector_load %arg9[%swap3A_103, %swap3A_104] {strides = array<i32>} : memref<80x128xf32, #tpu.memory_space<vmem>>, vector<1x16xf32>,
      %swap3A_106 = vector.shape_cast %swap3A_105 : vector<1x16xf32> to vector<16xf32>
      %swap3A_107 = vector.shape_cast %sub3A_102 : vector<16xf32> to vector<1x16xf32>
      tpu.vector_store %arg9[%swap3A_103, %swap3A_104], %swap3A_107 {strides = array<i32>} : memref<80x128xf32, #tpu.memory_space<vmem>>, vector<1x16xf32>,
      %get3A_108 = arith.index_cast %scan3A_82 : i32 to index
      %get3A_109 = arith.constant 32 : index
      %get3A_110 = tpu.vector_load %arg9[%get3A_108, %get3A_109] {strides = array<i32>} : memref<80x128xf32, #tpu.memory_space<vmem>>, vector<1x16xf32>,
      %get3A_111 = vector.shape_cast %get3A_110 : vector<1x16xf32> to vector<16xf32>
      %get3A_112 = arith.index_cast %scan3A_82 : i32 to index
      %get3A_113 = arith.constant 32 : index
      %get3A_114 = tpu.vector_load %arg7[%get3A_112, %get3A_113] {strides = array<i32>} : memref<80x128xf32, #tpu.memory_space<vmem>>, vector<1x16xf32>,
      %get3A_115 = vector.shape_cast %get3A_114 : vector<1x16xf32> to vector<16xf32>
      %sub3A_116 = arith.subf %get3A_111, %get3A_115 : vector<16xf32>
      %swap3A_117 = arith.index_cast %scan3A_82 : i32 to index
      %swap3A_118 = arith.constant 32 : index
      %swap3A_119 = tpu.vector_load %arg9[%swap3A_117, %swap3A_118] {strides = array<i32>} : memref<80x128xf32, #tpu.memory_space<vmem>>, vector<1x16xf32>,
      %swap3A_120 = vector.shape_cast %swap3A_119 : vector<1x16xf32> to vector<16xf32>
      %swap3A_121 = vector.shape_cast %sub3A_116 : vector<16xf32> to vector<1x16xf32>
      tpu.vector_store %arg9[%swap3A_117, %swap3A_118], %swap3A_121 {strides = array<i32>} : memref<80x128xf32, #tpu.memory_space<vmem>>, vector<1x16xf32>,
      %get3A_122 = arith.index_cast %scan3A_82 : i32 to index
      %get3A_123 = arith.constant 48 : index
      %get3A_124 = tpu.vector_load %arg9[%get3A_122, %get3A_123] {strides = array<i32>} : memref<80x128xf32, #tpu.memory_space<vmem>>, vector<1x16xf32>,
      %get3A_125 = vector.shape_cast %get3A_124 : vector<1x16xf32> to vector<16xf32>
      %get3A_126 = arith.index_cast %scan3A_82 : i32 to index
      %get3A_127 = arith.constant 48 : index
      %get3A_128 = tpu.vector_load %arg7[%get3A_126, %get3A_127] {strides = array<i32>} : memref<80x128xf32, #tpu.memory_space<vmem>>, vector<1x16xf32>,
      %get3A_129 = vector.shape_cast %get3A_128 : vector<1x16xf32> to vector<16xf32>
      %sub3A_130 = arith.subf %get3A_125, %get3A_129 : vector<16xf32>
      %swap3A_131 = arith.index_cast %scan3A_82 : i32 to index
      %swap3A_132 = arith.constant 48 : index
      %swap3A_133 = tpu.vector_load %arg9[%swap3A_131, %swap3A_132] {strides = array<i32>} : memref<80x128xf32, #tpu.memory_space<vmem>>, vector<1x16xf32>,
      %swap3A_134 = vector.shape_cast %swap3A_133 : vector<1x16xf32> to vector<16xf32>
      %swap3A_135 = vector.shape_cast %sub3A_130 : vector<16xf32> to vector<1x16xf32>
      tpu.vector_store %arg9[%swap3A_131, %swap3A_132], %swap3A_135 {strides = array<i32>} : memref<80x128xf32, #tpu.memory_space<vmem>>, vector<1x16xf32>,
      %get3A_136 = arith.index_cast %scan3A_82 : i32 to index
      %get3A_137 = arith.constant 64 : index
      %get3A_138 = tpu.vector_load %arg9[%get3A_136, %get3A_137] {strides = array<i32>} : memref<80x128xf32, #tpu.memory_space<vmem>>, vector<1x16xf32>,
      %get3A_139 = vector.shape_cast %get3A_138 : vector<1x16xf32> to vector<16xf32>
      %get3A_140 = arith.index_cast %scan3A_82 : i32 to index
      %get3A_141 = arith.constant 64 : index
      %get3A_142 = tpu.vector_load %arg7[%get3A_140, %get3A_141] {strides = array<i32>} : memref<80x128xf32, #tpu.memory_space<vmem>>, vector<1x16xf32>,
      %get3A_143 = vector.shape_cast %get3A_142 : vector<1x16xf32> to vector<16xf32>
      %sub3A_144 = arith.subf %get3A_139, %get3A_143 : vector<16xf32>
      %swap3A_145 = arith.index_cast %scan3A_82 : i32 to index
      %swap3A_146 = arith.constant 64 : index
      %swap3A_147 = tpu.vector_load %arg9[%swap3A_145, %swap3A_146] {strides = array<i32>} : memref<80x128xf32, #tpu.memory_space<vmem>>, vector<1x16xf32>,
      %swap3A_148 = vector.shape_cast %swap3A_147 : vector<1x16xf32> to vector<16xf32>
      %swap3A_149 = vector.shape_cast %sub3A_144 : vector<16xf32> to vector<1x16xf32>
      tpu.vector_store %arg9[%swap3A_145, %swap3A_146], %swap3A_149 {strides = array<i32>} : memref<80x128xf32, #tpu.memory_space<vmem>>, vector<1x16xf32>,
      %get3A_150 = arith.index_cast %scan3A_82 : i32 to index
      %get3A_151 = arith.constant 80 : index
      %get3A_152 = tpu.vector_load %arg9[%get3A_150, %get3A_151] {strides = array<i32>} : memref<80x128xf32, #tpu.memory_space<vmem>>, vector<1x16xf32>,
      %get3A_153 = vector.shape_cast %get3A_152 : vector<1x16xf32> to vector<16xf32>
      %get3A_154 = arith.index_cast %scan3A_82 : i32 to index
      %get3A_155 = arith.constant 80 : index
      %get3A_156 = tpu.vector_load %arg7[%get3A_154, %get3A_155] {strides = array<i32>} : memref<80x128xf32, #tpu.memory_space<vmem>>, vector<1x16xf32>,
      %get3A_157 = vector.shape_cast %get3A_156 : vector<1x16xf32> to vector<16xf32>
      %sub3A_158 = arith.subf %get3A_153, %get3A_157 : vector<16xf32>
      %swap3A_159 = arith.index_cast %scan3A_82 : i32 to index
      %swap3A_160 = arith.constant 80 : index
      %swap3A_161 = tpu.vector_load %arg9[%swap3A_159, %swap3A_160] {strides = array<i32>} : memref<80x128xf32, #tpu.memory_space<vmem>>, vector<1x16xf32>,
      %swap3A_162 = vector.shape_cast %swap3A_161 : vector<1x16xf32> to vector<16xf32>
      %swap3A_163 = vector.shape_cast %sub3A_158 : vector<16xf32> to vector<1x16xf32>
      tpu.vector_store %arg9[%swap3A_159, %swap3A_160], %swap3A_163 {strides = array<i32>} : memref<80x128xf32, #tpu.memory_space<vmem>>, vector<1x16xf32>,
      %get3A_164 = arith.index_cast %scan3A_82 : i32 to index
      %get3A_165 = arith.constant 96 : index
      %get3A_166 = tpu.vector_load %arg9[%get3A_164, %get3A_165] {strides = array<i32>} : memref<80x128xf32, #tpu.memory_space<vmem>>, vector<1x16xf32>,
      %get3A_167 = vector.shape_cast %get3A_166 : vector<1x16xf32> to vector<16xf32>
      %get3A_168 = arith.index_cast %scan3A_82 : i32 to index
      %get3A_169 = arith.constant 96 : index
      %get3A_170 = tpu.vector_load %arg7[%get3A_168, %get3A_169] {strides = array<i32>} : memref<80x128xf32, #tpu.memory_space<vmem>>, vector<1x16xf32>,
      %get3A_171 = vector.shape_cast %get3A_170 : vector<1x16xf32> to vector<16xf32>
      %sub3A_172 = arith.subf %get3A_167, %get3A_171 : vector<16xf32>
      %swap3A_173 = arith.index_cast %scan3A_82 : i32 to index
      %swap3A_174 = arith.constant 96 : index
      %swap3A_175 = tpu.vector_load %arg9[%swap3A_173, %swap3A_174] {strides = array<i32>} : memref<80x128xf32, #tpu.memory_space<vmem>>, vector<1x16xf32>,
      %swap3A_176 = vector.shape_cast %swap3A_175 : vector<1x16xf32> to vector<16xf32>
      %swap3A_177 = vector.shape_cast %sub3A_172 : vector<16xf32> to vector<1x16xf32>
      tpu.vector_store %arg9[%swap3A_173, %swap3A_174], %swap3A_177 {strides = array<i32>} : memref<80x128xf32, #tpu.memory_space<vmem>>, vector<1x16xf32>,
      %get3A_178 = arith.index_cast %scan3A_82 : i32 to index
      %get3A_179 = arith.constant 112 : index
      %get3A_180 = tpu.vector_load %arg9[%get3A_178, %get3A_179] {strides = array<i32>} : memref<80x128xf32, #tpu.memory_space<vmem>>, vector<1x16xf32>,
      %get3A_181 = vector.shape_cast %get3A_180 : vector<1x16xf32> to vector<16xf32>
      %get3A_182 = arith.index_cast %scan3A_82 : i32 to index
      %get3A_183 = arith.constant 112 : index
      %get3A_184 = tpu.vector_load %arg7[%get3A_182, %get3A_183] {strides = array<i32>} : memref<80x128xf32, #tpu.memory_space<vmem>>, vector<1x16xf32>,
      %get3A_185 = vector.shape_cast %get3A_184 : vector<1x16xf32> to vector<16xf32>
      %sub3A_186 = arith.subf %get3A_181, %get3A_185 : vector<16xf32>
      %swap3A_187 = arith.index_cast %scan3A_82 : i32 to index
      %swap3A_188 = arith.constant 112 : index
      %swap3A_189 = tpu.vector_load %arg9[%swap3A_187, %swap3A_188] {strides = array<i32>} : memref<80x128xf32, #tpu.memory_space<vmem>>, vector<1x16xf32>,
      %swap3A_190 = vector.shape_cast %swap3A_189 : vector<1x16xf32> to vector<16xf32>
      %swap3A_191 = vector.shape_cast %sub3A_186 : vector<16xf32> to vector<1x16xf32>
      tpu.vector_store %arg9[%swap3A_187, %swap3A_188], %swap3A_191 {strides = array<i32>} : memref<80x128xf32, #tpu.memory_space<vmem>>, vector<1x16xf32>,
    }
    %scan3A_51 = arith.constant 80 : i32
    %mul3A_52 = arith.constant 10000 : i32
    %mul3A_53 = arith.muli %add3A, %mul3A_52 : i32
    %add3A_54 = arith.constant 0 : i32
    %add3A_55 = arith.addi %mul3A_53, %add3A_54 : i32
    %dma_start3A_56 = arith.constant 0 : i32
    %dma_start3A_57 = tpu.memref_slice %arg5[%add3A_55, %dma_start3A_56] : memref<320000x128xf32, #tpu.memory_space<hbm>> -> memref<80x128xf32, #tpu.memory_space<hbm>>
    %dma_start3A_58 = arith.constant 0 : i32
    %dma_start3A_59 = tpu.memref_slice %arg5[%add3A_55, %dma_start3A_58] : memref<320000x128xf32, #tpu.memory_space<hbm>> -> memref<80x128xf32, #tpu.memory_space<hbm>>
    tpu.enqueue_dma source(%arg9 : memref<80x128xf32, #tpu.memory_space<vmem>>) target(%dma_start3A_59 : memref<80x128xf32, #tpu.memory_space<hbm>>) target_semaphore(%arg13 : memref<!tpu.dma_semaphore, #tpu.memory_space<semaphore_mem>>)
    %scan3A_60 = arith.constant 0 : i32
    %scan3A_61 = arith.constant 0 : i32
    %scan3A_62 = arith.constant 62 : i32
    %scan3A_63 = arith.addi %scan3A_61, %scan3A_62 : i32
    %scan3A_64 = arith.constant 1 : i32
    scf.for %scan3A_82 = %scan3A_61 to %scan3A_63 step %scan3A_64  : i32 {
      %mul3A_83 = arith.constant 2 : i32
      %mul3A_84 = arith.muli %mul3A_83, %scan3A_82 : i32
      %add3A_85 = arith.constant 1 : i32
      %add3A_86 = arith.addi %mul3A_84, %add3A_85 : i32
      %mul3A_87 = arith.constant 10000 : i32
      %mul3A_88 = arith.muli %add3A, %mul3A_87 : i32
      %mul3A_89 = arith.constant 80 : i32
      %mul3A_90 = arith.muli %add3A_86, %mul3A_89 : i32
      %add3A_91 = arith.addi %mul3A_88, %mul3A_90 : i32
      %dma_wait3A_92 = arith.constant 0 : i32
      %dma_wait3A_93 = tpu.memref_slice %arg3[%add3A_91, %dma_wait3A_92] : memref<320000x128xf32, #tpu.memory_space<hbm>> -> memref<80x128xf32, #tpu.memory_space<hbm>>
      %dma_wait3A_94 = arith.constant 0 : i32
      %dma_wait3A_95 = tpu.memref_slice %arg3[%add3A_91, %dma_wait3A_94] : memref<320000x128xf32, #tpu.memory_space<hbm>> -> memref<80x128xf32, #tpu.memory_space<hbm>>
      tpu.wait_dma2 semaphore(%arg12 : memref<!tpu.dma_semaphore, #tpu.memory_space<semaphore_mem>>) src(%dma_wait3A_95 : memref<80x128xf32, #tpu.memory_space<hbm>>) dst(%arg8 : memref<80x128xf32, #tpu.memory_space<vmem>>)
      %mul3A_96 = arith.constant 10000 : i32
      %mul3A_97 = arith.muli %add3A, %mul3A_96 : i32
      %mul3A_98 = arith.constant 80 : i32
      %mul3A_99 = arith.muli %add3A_86, %mul3A_98 : i32
      %add3A_100 = arith.addi %mul3A_97, %mul3A_99 : i32
      %dma_wait3A_101 = arith.constant 0 : i32
      %dma_wait3A_102 = tpu.memref_slice %arg3[%add3A_100, %dma_wait3A_101] : memref<320000x128xf32, #tpu.memory_space<hbm>> -> memref<80x128xf32, #tpu.memory_space<hbm>>
      %dma_wait3A_103 = arith.constant 0 : i32
      %dma_wait3A_104 = tpu.memref_slice %arg3[%add3A_100, %dma_wait3A_103] : memref<320000x128xf32, #tpu.memory_space<hbm>> -> memref<80x128xf32, #tpu.memory_space<hbm>>
      tpu.wait_dma2 semaphore(%arg12 : memref<!tpu.dma_semaphore, #tpu.memory_space<semaphore_mem>>) src(%dma_wait3A_104 : memref<80x128xf32, #tpu.memory_space<hbm>>) dst(%arg10 : memref<80x128xf32, #tpu.memory_space<vmem>>)
      %add3A_105 = arith.constant 1 : i32
      %add3A_106 = arith.addi %add3A_86, %add3A_105 : i32
      %lt3A = arith.constant 125 : i32
      %lt3A_107 = arith.cmpi slt, %add3A_106, %lt3A : i32
      %convert_element_type3A = arith.extui %lt3A_107 : i1 to i32
      %cond3A = arith.constant 0 : i32
      %cond3A_108 = arith.cmpi ne, %convert_element_type3A, %cond3A : i32
      scf.if %cond3A_108 {
        %sub3A = arith.constant 1 : i32
        %sub3A_168 = arith.subi %add3A_86, %sub3A : i32
        %mul3A_169 = arith.constant 10000 : i32
        %mul3A_170 = arith.muli %add3A, %mul3A_169 : i32
        %mul3A_171 = arith.constant 80 : i32
        %mul3A_172 = arith.muli %sub3A_168, %mul3A_171 : i32
        %add3A_173 = arith.addi %mul3A_170, %mul3A_172 : i32
        %dma_wait3A_174 = arith.constant 0 : i32
        %dma_wait3A_175 = tpu.memref_slice %arg5[%add3A_173, %dma_wait3A_174] : memref<320000x128xf32, #tpu.memory_space<hbm>> -> memref<80x128xf32, #tpu.memory_space<hbm>>
        %dma_wait3A_176 = arith.constant 0 : i32
        %dma_wait3A_177 = tpu.memref_slice %arg5[%add3A_173, %dma_wait3A_176] : memref<320000x128xf32, #tpu.memory_space<hbm>> -> memref<80x128xf32, #tpu.memory_space<hbm>>
        tpu.wait_dma2 semaphore(%arg13 : memref<!tpu.dma_semaphore, #tpu.memory_space<semaphore_mem>>) src(%arg9 : memref<80x128xf32, #tpu.memory_space<vmem>>) dst(%dma_wait3A_177 : memref<80x128xf32, #tpu.memory_space<hbm>>)
        %add3A_178 = arith.constant 1 : i32
        %add3A_179 = arith.addi %add3A_86, %add3A_178 : i32
        %mul3A_180 = arith.constant 10000 : i32
        %mul3A_181 = arith.muli %add3A, %mul3A_180 : i32
        %mul3A_182 = arith.constant 80 : i32
        %mul3A_183 = arith.muli %add3A_179, %mul3A_182 : i32
        %add3A_184 = arith.addi %mul3A_181, %mul3A_183 : i32
        %dma_start3A_185 = arith.constant 0 : i32
        %dma_start3A_186 = tpu.memref_slice %arg3[%add3A_184, %dma_start3A_185] : memref<320000x128xf32, #tpu.memory_space<hbm>> -> memref<80x128xf32, #tpu.memory_space<hbm>>
        %dma_start3A_187 = arith.constant 0 : i32
        %dma_start3A_188 = tpu.memref_slice %arg3[%add3A_184, %dma_start3A_187] : memref<320000x128xf32, #tpu.memory_space<hbm>> -> memref<80x128xf32, #tpu.memory_space<hbm>>
        tpu.enqueue_dma source(%dma_start3A_188 : memref<80x128xf32, #tpu.memory_space<hbm>>) target(%arg7 : memref<80x128xf32, #tpu.memory_space<vmem>>) target_semaphore(%arg11 : memref<!tpu.dma_semaphore, #tpu.memory_space<semaphore_mem>>)
        %dma_start3A_189 = arith.constant 0 : i32
        %dma_start3A_190 = tpu.memref_slice %arg6[%add3A_179, %dma_start3A_189] : memref<128x80xi32, #tpu.memory_space<vmem>> -> memref<1x80xi32, #tpu.memory_space<vmem>>
        %dma_start3A_191 = tpu.memref_squeeze %dma_start3A_190 : memref<1x80xi32, #tpu.memory_space<vmem>> -> memref<80xi32, #tpu.memory_space<vmem>>
        %dma_start3A_192 = arith.constant 0 : i32
        %dma_start3A_193 = arith.constant 0 : i32
        %dma_start3A_194 = tpu.memref_slice %arg4[%dma_start3A_192, %dma_start3A_193] : memref<10240x128xf32, #tpu.memory_space<hbm>> -> memref<10240x128xf32, #tpu.memory_space<hbm>>
        tpu.enqueue_indirect_dma source(%dma_start3A_194 : memref<10240x128xf32, #tpu.memory_space<hbm>>) target(%arg9 : memref<80x128xf32, #tpu.memory_space<vmem>>) offsets(%dma_start3A_191 : memref<80xi32, #tpu.memory_space<vmem>>) semaphore(%arg11 : memref<!tpu.dma_semaphore, #tpu.memory_space<semaphore_mem>>)
      } else {
      }
      %scan3A_109 = arith.constant 0 : i32
      %scan3A_110 = arith.constant 0 : i32
      %scan3A_111 = arith.constant 80 : i32
      %scan3A_112 = arith.addi %scan3A_110, %scan3A_111 : i32
      %scan3A_113 = arith.constant 1 : i32
      scf.for %scan3A_168 = %scan3A_110 to %scan3A_112 step %scan3A_113  : i32 {
        %get3A = arith.index_cast %scan3A_168 : i32 to index
        %get3A_169 = arith.constant 0 : index
        %get3A_170 = tpu.vector_load %arg10[%get3A, %get3A_169] {strides = array<i32>} : memref<80x128xf32, #tpu.memory_space<vmem>>, vector<1x16xf32>,
        %get3A_171 = vector.shape_cast %get3A_170 : vector<1x16xf32> to vector<16xf32>
        %get3A_172 = arith.index_cast %scan3A_168 : i32 to index
        %get3A_173 = arith.constant 0 : index
        %get3A_174 = tpu.vector_load %arg8[%get3A_172, %get3A_173] {strides = array<i32>} : memref<80x128xf32, #tpu.memory_space<vmem>>, vector<1x16xf32>,
        %get3A_175 = vector.shape_cast %get3A_174 : vector<1x16xf32> to vector<16xf32>
        %sub3A = arith.subf %get3A_171, %get3A_175 : vector<16xf32>
        %swap3A = arith.index_cast %scan3A_168 : i32 to index
        %swap3A_176 = arith.constant 0 : index
        %swap3A_177 = tpu.vector_load %arg10[%swap3A, %swap3A_176] {strides = array<i32>} : memref<80x128xf32, #tpu.memory_space<vmem>>, vector<1x16xf32>,
        %swap3A_178 = vector.shape_cast %swap3A_177 : vector<1x16xf32> to vector<16xf32>
        %swap3A_179 = vector.shape_cast %sub3A : vector<16xf32> to vector<1x16xf32>
        tpu.vector_store %arg10[%swap3A, %swap3A_176], %swap3A_179 {strides = array<i32>} : memref<80x128xf32, #tpu.memory_space<vmem>>, vector<1x16xf32>,
        %get3A_180 = arith.index_cast %scan3A_168 : i32 to index
        %get3A_181 = arith.constant 16 : index
        %get3A_182 = tpu.vector_load %arg10[%get3A_180, %get3A_181] {strides = array<i32>} : memref<80x128xf32, #tpu.memory_space<vmem>>, vector<1x16xf32>,
        %get3A_183 = vector.shape_cast %get3A_182 : vector<1x16xf32> to vector<16xf32>
        %get3A_184 = arith.index_cast %scan3A_168 : i32 to index
        %get3A_185 = arith.constant 16 : index
        %get3A_186 = tpu.vector_load %arg8[%get3A_184, %get3A_185] {strides = array<i32>} : memref<80x128xf32, #tpu.memory_space<vmem>>, vector<1x16xf32>,
        %get3A_187 = vector.shape_cast %get3A_186 : vector<1x16xf32> to vector<16xf32>
        %sub3A_188 = arith.subf %get3A_183, %get3A_187 : vector<16xf32>
        %swap3A_189 = arith.index_cast %scan3A_168 : i32 to index
        %swap3A_190 = arith.constant 16 : index
        %swap3A_191 = tpu.vector_load %arg10[%swap3A_189, %swap3A_190] {strides = array<i32>} : memref<80x128xf32, #tpu.memory_space<vmem>>, vector<1x16xf32>,
        %swap3A_192 = vector.shape_cast %swap3A_191 : vector<1x16xf32> to vector<16xf32>
        %swap3A_193 = vector.shape_cast %sub3A_188 : vector<16xf32> to vector<1x16xf32>
        tpu.vector_store %arg10[%swap3A_189, %swap3A_190], %swap3A_193 {strides = array<i32>} : memref<80x128xf32, #tpu.memory_space<vmem>>, vector<1x16xf32>,
        %get3A_194 = arith.index_cast %scan3A_168 : i32 to index
        %get3A_195 = arith.constant 32 : index
        %get3A_196 = tpu.vector_load %arg10[%get3A_194, %get3A_195] {strides = array<i32>} : memref<80x128xf32, #tpu.memory_space<vmem>>, vector<1x16xf32>,
        %get3A_197 = vector.shape_cast %get3A_196 : vector<1x16xf32> to vector<16xf32>
        %get3A_198 = arith.index_cast %scan3A_168 : i32 to index
        %get3A_199 = arith.constant 32 : index
        %get3A_200 = tpu.vector_load %arg8[%get3A_198, %get3A_199] {strides = array<i32>} : memref<80x128xf32, #tpu.memory_space<vmem>>, vector<1x16xf32>,
        %get3A_201 = vector.shape_cast %get3A_200 : vector<1x16xf32> to vector<16xf32>
        %sub3A_202 = arith.subf %get3A_197, %get3A_201 : vector<16xf32>
        %swap3A_203 = arith.index_cast %scan3A_168 : i32 to index
        %swap3A_204 = arith.constant 32 : index
        %swap3A_205 = tpu.vector_load %arg10[%swap3A_203, %swap3A_204] {strides = array<i32>} : memref<80x128xf32, #tpu.memory_space<vmem>>, vector<1x16xf32>,
        %swap3A_206 = vector.shape_cast %swap3A_205 : vector<1x16xf32> to vector<16xf32>
        %swap3A_207 = vector.shape_cast %sub3A_202 : vector<16xf32> to vector<1x16xf32>
        tpu.vector_store %arg10[%swap3A_203, %swap3A_204], %swap3A_207 {strides = array<i32>} : memref<80x128xf32, #tpu.memory_space<vmem>>, vector<1x16xf32>,
        %get3A_208 = arith.index_cast %scan3A_168 : i32 to index
        %get3A_209 = arith.constant 48 : index
        %get3A_210 = tpu.vector_load %arg10[%get3A_208, %get3A_209] {strides = array<i32>} : memref<80x128xf32, #tpu.memory_space<vmem>>, vector<1x16xf32>,
        %get3A_211 = vector.shape_cast %get3A_210 : vector<1x16xf32> to vector<16xf32>
        %get3A_212 = arith.index_cast %scan3A_168 : i32 to index
        %get3A_213 = arith.constant 48 : index
        %get3A_214 = tpu.vector_load %arg8[%get3A_212, %get3A_213] {strides = array<i32>} : memref<80x128xf32, #tpu.memory_space<vmem>>, vector<1x16xf32>,
        %get3A_215 = vector.shape_cast %get3A_214 : vector<1x16xf32> to vector<16xf32>
        %sub3A_216 = arith.subf %get3A_211, %get3A_215 : vector<16xf32>
        %swap3A_217 = arith.index_cast %scan3A_168 : i32 to index
        %swap3A_218 = arith.constant 48 : index
        %swap3A_219 = tpu.vector_load %arg10[%swap3A_217, %swap3A_218] {strides = array<i32>} : memref<80x128xf32, #tpu.memory_space<vmem>>, vector<1x16xf32>,
        %swap3A_220 = vector.shape_cast %swap3A_219 : vector<1x16xf32> to vector<16xf32>
        %swap3A_221 = vector.shape_cast %sub3A_216 : vector<16xf32> to vector<1x16xf32>
        tpu.vector_store %arg10[%swap3A_217, %swap3A_218], %swap3A_221 {strides = array<i32>} : memref<80x128xf32, #tpu.memory_space<vmem>>, vector<1x16xf32>,
        %get3A_222 = arith.index_cast %scan3A_168 : i32 to index
        %get3A_223 = arith.constant 64 : index
        %get3A_224 = tpu.vector_load %arg10[%get3A_222, %get3A_223] {strides = array<i32>} : memref<80x128xf32, #tpu.memory_space<vmem>>, vector<1x16xf32>,
        %get3A_225 = vector.shape_cast %get3A_224 : vector<1x16xf32> to vector<16xf32>
        %get3A_226 = arith.index_cast %scan3A_168 : i32 to index
        %get3A_227 = arith.constant 64 : index
        %get3A_228 = tpu.vector_load %arg8[%get3A_226, %get3A_227] {strides = array<i32>} : memref<80x128xf32, #tpu.memory_space<vmem>>, vector<1x16xf32>,
        %get3A_229 = vector.shape_cast %get3A_228 : vector<1x16xf32> to vector<16xf32>
        %sub3A_230 = arith.subf %get3A_225, %get3A_229 : vector<16xf32>
        %swap3A_231 = arith.index_cast %scan3A_168 : i32 to index
        %swap3A_232 = arith.constant 64 : index
        %swap3A_233 = tpu.vector_load %arg10[%swap3A_231, %swap3A_232] {strides = array<i32>} : memref<80x128xf32, #tpu.memory_space<vmem>>, vector<1x16xf32>,
        %swap3A_234 = vector.shape_cast %swap3A_233 : vector<1x16xf32> to vector<16xf32>
        %swap3A_235 = vector.shape_cast %sub3A_230 : vector<16xf32> to vector<1x16xf32>
        tpu.vector_store %arg10[%swap3A_231, %swap3A_232], %swap3A_235 {strides = array<i32>} : memref<80x128xf32, #tpu.memory_space<vmem>>, vector<1x16xf32>,
        %get3A_236 = arith.index_cast %scan3A_168 : i32 to index
        %get3A_237 = arith.constant 80 : index
        %get3A_238 = tpu.vector_load %arg10[%get3A_236, %get3A_237] {strides = array<i32>} : memref<80x128xf32, #tpu.memory_space<vmem>>, vector<1x16xf32>,
        %get3A_239 = vector.shape_cast %get3A_238 : vector<1x16xf32> to vector<16xf32>
        %get3A_240 = arith.index_cast %scan3A_168 : i32 to index
        %get3A_241 = arith.constant 80 : index
        %get3A_242 = tpu.vector_load %arg8[%get3A_240, %get3A_241] {strides = array<i32>} : memref<80x128xf32, #tpu.memory_space<vmem>>, vector<1x16xf32>,
        %get3A_243 = vector.shape_cast %get3A_242 : vector<1x16xf32> to vector<16xf32>
        %sub3A_244 = arith.subf %get3A_239, %get3A_243 : vector<16xf32>
        %swap3A_245 = arith.index_cast %scan3A_168 : i32 to index
        %swap3A_246 = arith.constant 80 : index
        %swap3A_247 = tpu.vector_load %arg10[%swap3A_245, %swap3A_246] {strides = array<i32>} : memref<80x128xf32, #tpu.memory_space<vmem>>, vector<1x16xf32>,
        %swap3A_248 = vector.shape_cast %swap3A_247 : vector<1x16xf32> to vector<16xf32>
        %swap3A_249 = vector.shape_cast %sub3A_244 : vector<16xf32> to vector<1x16xf32>
        tpu.vector_store %arg10[%swap3A_245, %swap3A_246], %swap3A_249 {strides = array<i32>} : memref<80x128xf32, #tpu.memory_space<vmem>>, vector<1x16xf32>,
        %get3A_250 = arith.index_cast %scan3A_168 : i32 to index
        %get3A_251 = arith.constant 96 : index
        %get3A_252 = tpu.vector_load %arg10[%get3A_250, %get3A_251] {strides = array<i32>} : memref<80x128xf32, #tpu.memory_space<vmem>>, vector<1x16xf32>,
        %get3A_253 = vector.shape_cast %get3A_252 : vector<1x16xf32> to vector<16xf32>
        %get3A_254 = arith.index_cast %scan3A_168 : i32 to index
        %get3A_255 = arith.constant 96 : index
        %get3A_256 = tpu.vector_load %arg8[%get3A_254, %get3A_255] {strides = array<i32>} : memref<80x128xf32, #tpu.memory_space<vmem>>, vector<1x16xf32>,
        %get3A_257 = vector.shape_cast %get3A_256 : vector<1x16xf32> to vector<16xf32>
        %sub3A_258 = arith.subf %get3A_253, %get3A_257 : vector<16xf32>
        %swap3A_259 = arith.index_cast %scan3A_168 : i32 to index
        %swap3A_260 = arith.constant 96 : index
        %swap3A_261 = tpu.vector_load %arg10[%swap3A_259, %swap3A_260] {strides = array<i32>} : memref<80x128xf32, #tpu.memory_space<vmem>>, vector<1x16xf32>,
        %swap3A_262 = vector.shape_cast %swap3A_261 : vector<1x16xf32> to vector<16xf32>
        %swap3A_263 = vector.shape_cast %sub3A_258 : vector<16xf32> to vector<1x16xf32>
        tpu.vector_store %arg10[%swap3A_259, %swap3A_260], %swap3A_263 {strides = array<i32>} : memref<80x128xf32, #tpu.memory_space<vmem>>, vector<1x16xf32>,
        %get3A_264 = arith.index_cast %scan3A_168 : i32 to index
        %get3A_265 = arith.constant 112 : index
        %get3A_266 = tpu.vector_load %arg10[%get3A_264, %get3A_265] {strides = array<i32>} : memref<80x128xf32, #tpu.memory_space<vmem>>, vector<1x16xf32>,
        %get3A_267 = vector.shape_cast %get3A_266 : vector<1x16xf32> to vector<16xf32>
        %get3A_268 = arith.index_cast %scan3A_168 : i32 to index
        %get3A_269 = arith.constant 112 : index
        %get3A_270 = tpu.vector_load %arg8[%get3A_268, %get3A_269] {strides = array<i32>} : memref<80x128xf32, #tpu.memory_space<vmem>>, vector<1x16xf32>,
        %get3A_271 = vector.shape_cast %get3A_270 : vector<1x16xf32> to vector<16xf32>
        %sub3A_272 = arith.subf %get3A_267, %get3A_271 : vector<16xf32>
        %swap3A_273 = arith.index_cast %scan3A_168 : i32 to index
        %swap3A_274 = arith.constant 112 : index
        %swap3A_275 = tpu.vector_load %arg10[%swap3A_273, %swap3A_274] {strides = array<i32>} : memref<80x128xf32, #tpu.memory_space<vmem>>, vector<1x16xf32>,
        %swap3A_276 = vector.shape_cast %swap3A_275 : vector<1x16xf32> to vector<16xf32>
        %swap3A_277 = vector.shape_cast %sub3A_272 : vector<16xf32> to vector<1x16xf32>
        tpu.vector_store %arg10[%swap3A_273, %swap3A_274], %swap3A_277 {strides = array<i32>} : memref<80x128xf32, #tpu.memory_space<vmem>>, vector<1x16xf32>,
      }
      %scan3A_114 = arith.constant 80 : i32
      %mul3A_115 = arith.constant 10000 : i32
      %mul3A_116 = arith.muli %add3A, %mul3A_115 : i32
      %mul3A_117 = arith.constant 80 : i32
      %mul3A_118 = arith.muli %add3A_86, %mul3A_117 : i32
      %add3A_119 = arith.addi %mul3A_116, %mul3A_118 : i32
      %dma_start3A_120 = arith.constant 0 : i32
      %dma_start3A_121 = tpu.memref_slice %arg5[%add3A_119, %dma_start3A_120] : memref<320000x128xf32, #tpu.memory_space<hbm>> -> memref<80x128xf32, #tpu.memory_space<hbm>>
      %dma_start3A_122 = arith.constant 0 : i32
      %dma_start3A_123 = tpu.memref_slice %arg5[%add3A_119, %dma_start3A_122] : memref<320000x128xf32, #tpu.memory_space<hbm>> -> memref<80x128xf32, #tpu.memory_space<hbm>>
      tpu.enqueue_dma source(%arg10 : memref<80x128xf32, #tpu.memory_space<vmem>>) target(%dma_start3A_123 : memref<80x128xf32, #tpu.memory_space<hbm>>) target_semaphore(%arg14 : memref<!tpu.dma_semaphore, #tpu.memory_space<semaphore_mem>>)
      %mul3A_124 = arith.constant 2 : i32
      %mul3A_125 = arith.muli %mul3A_124, %scan3A_82 : i32
      %add3A_126 = arith.constant 2 : i32
      %add3A_127 = arith.addi %mul3A_125, %add3A_126 : i32
      %mul3A_128 = arith.constant 10000 : i32
      %mul3A_129 = arith.muli %add3A, %mul3A_128 : i32
      %mul3A_130 = arith.constant 80 : i32
      %mul3A_131 = arith.muli %add3A_127, %mul3A_130 : i32
      %add3A_132 = arith.addi %mul3A_129, %mul3A_131 : i32
      %dma_wait3A_133 = arith.constant 0 : i32
      %dma_wait3A_134 = tpu.memref_slice %arg3[%add3A_132, %dma_wait3A_133] : memref<320000x128xf32, #tpu.memory_space<hbm>> -> memref<80x128xf32, #tpu.memory_space<hbm>>
      %dma_wait3A_135 = arith.constant 0 : i32
      %dma_wait3A_136 = tpu.memref_slice %arg3[%add3A_132, %dma_wait3A_135] : memref<320000x128xf32, #tpu.memory_space<hbm>> -> memref<80x128xf32, #tpu.memory_space<hbm>>
      tpu.wait_dma2 semaphore(%arg11 : memref<!tpu.dma_semaphore, #tpu.memory_space<semaphore_mem>>) src(%dma_wait3A_136 : memref<80x128xf32, #tpu.memory_space<hbm>>) dst(%arg7 : memref<80x128xf32, #tpu.memory_space<vmem>>)
      %mul3A_137 = arith.constant 10000 : i32
      %mul3A_138 = arith.muli %add3A, %mul3A_137 : i32
      %mul3A_139 = arith.constant 80 : i32
      %mul3A_140 = arith.muli %add3A_127, %mul3A_139 : i32
      %add3A_141 = arith.addi %mul3A_138, %mul3A_140 : i32
      %dma_wait3A_142 = arith.constant 0 : i32
      %dma_wait3A_143 = tpu.memref_slice %arg3[%add3A_141, %dma_wait3A_142] : memref<320000x128xf32, #tpu.memory_space<hbm>> -> memref<80x128xf32, #tpu.memory_space<hbm>>
      %dma_wait3A_144 = arith.constant 0 : i32
      %dma_wait3A_145 = tpu.memref_slice %arg3[%add3A_141, %dma_wait3A_144] : memref<320000x128xf32, #tpu.memory_space<hbm>> -> memref<80x128xf32, #tpu.memory_space<hbm>>
      tpu.wait_dma2 semaphore(%arg11 : memref<!tpu.dma_semaphore, #tpu.memory_space<semaphore_mem>>) src(%dma_wait3A_145 : memref<80x128xf32, #tpu.memory_space<hbm>>) dst(%arg9 : memref<80x128xf32, #tpu.memory_space<vmem>>)
      %add3A_146 = arith.constant 1 : i32
      %add3A_147 = arith.addi %add3A_127, %add3A_146 : i32
      %lt3A_148 = arith.constant 125 : i32
      %lt3A_149 = arith.cmpi slt, %add3A_147, %lt3A_148 : i32
      %convert_element_type3A_150 = arith.extui %lt3A_149 : i1 to i32
      %cond3A_151 = arith.constant 0 : i32
      %cond3A_152 = arith.cmpi ne, %convert_element_type3A_150, %cond3A_151 : i32
      scf.if %cond3A_152 {
        %sub3A = arith.constant 1 : i32
        %sub3A_168 = arith.subi %add3A_127, %sub3A : i32
        %mul3A_169 = arith.constant 10000 : i32
        %mul3A_170 = arith.muli %add3A, %mul3A_169 : i32
        %mul3A_171 = arith.constant 80 : i32
        %mul3A_172 = arith.muli %sub3A_168, %mul3A_171 : i32
        %add3A_173 = arith.addi %mul3A_170, %mul3A_172 : i32
        %dma_wait3A_174 = arith.constant 0 : i32
        %dma_wait3A_175 = tpu.memref_slice %arg5[%add3A_173, %dma_wait3A_174] : memref<320000x128xf32, #tpu.memory_space<hbm>> -> memref<80x128xf32, #tpu.memory_space<hbm>>
        %dma_wait3A_176 = arith.constant 0 : i32
        %dma_wait3A_177 = tpu.memref_slice %arg5[%add3A_173, %dma_wait3A_176] : memref<320000x128xf32, #tpu.memory_space<hbm>> -> memref<80x128xf32, #tpu.memory_space<hbm>>
        tpu.wait_dma2 semaphore(%arg14 : memref<!tpu.dma_semaphore, #tpu.memory_space<semaphore_mem>>) src(%arg10 : memref<80x128xf32, #tpu.memory_space<vmem>>) dst(%dma_wait3A_177 : memref<80x128xf32, #tpu.memory_space<hbm>>)
        %add3A_178 = arith.constant 1 : i32
        %add3A_179 = arith.addi %add3A_127, %add3A_178 : i32
        %mul3A_180 = arith.constant 10000 : i32
        %mul3A_181 = arith.muli %add3A, %mul3A_180 : i32
        %mul3A_182 = arith.constant 80 : i32
        %mul3A_183 = arith.muli %add3A_179, %mul3A_182 : i32
        %add3A_184 = arith.addi %mul3A_181, %mul3A_183 : i32
        %dma_start3A_185 = arith.constant 0 : i32
        %dma_start3A_186 = tpu.memref_slice %arg3[%add3A_184, %dma_start3A_185] : memref<320000x128xf32, #tpu.memory_space<hbm>> -> memref<80x128xf32, #tpu.memory_space<hbm>>
        %dma_start3A_187 = arith.constant 0 : i32
        %dma_start3A_188 = tpu.memref_slice %arg3[%add3A_184, %dma_start3A_187] : memref<320000x128xf32, #tpu.memory_space<hbm>> -> memref<80x128xf32, #tpu.memory_space<hbm>>
        tpu.enqueue_dma source(%dma_start3A_188 : memref<80x128xf32, #tpu.memory_space<hbm>>) target(%arg8 : memref<80x128xf32, #tpu.memory_space<vmem>>) target_semaphore(%arg12 : memref<!tpu.dma_semaphore, #tpu.memory_space<semaphore_mem>>)
        %dma_start3A_189 = arith.constant 0 : i32
        %dma_start3A_190 = tpu.memref_slice %arg6[%add3A_179, %dma_start3A_189] : memref<128x80xi32, #tpu.memory_space<vmem>> -> memref<1x80xi32, #tpu.memory_space<vmem>>
        %dma_start3A_191 = tpu.memref_squeeze %dma_start3A_190 : memref<1x80xi32, #tpu.memory_space<vmem>> -> memref<80xi32, #tpu.memory_space<vmem>>
        %dma_start3A_192 = arith.constant 0 : i32
        %dma_start3A_193 = arith.constant 0 : i32
        %dma_start3A_194 = tpu.memref_slice %arg4[%dma_start3A_192, %dma_start3A_193] : memref<10240x128xf32, #tpu.memory_space<hbm>> -> memref<10240x128xf32, #tpu.memory_space<hbm>>
        tpu.enqueue_indirect_dma source(%dma_start3A_194 : memref<10240x128xf32, #tpu.memory_space<hbm>>) target(%arg10 : memref<80x128xf32, #tpu.memory_space<vmem>>) offsets(%dma_start3A_191 : memref<80xi32, #tpu.memory_space<vmem>>) semaphore(%arg12 : memref<!tpu.dma_semaphore, #tpu.memory_space<semaphore_mem>>)
      } else {
      }
      %scan3A_153 = arith.constant 0 : i32
      %scan3A_154 = arith.constant 0 : i32
      %scan3A_155 = arith.constant 80 : i32
      %scan3A_156 = arith.addi %scan3A_154, %scan3A_155 : i32
      %scan3A_157 = arith.constant 1 : i32
      scf.for %scan3A_168 = %scan3A_154 to %scan3A_156 step %scan3A_157  : i32 {
        %get3A = arith.index_cast %scan3A_168 : i32 to index
        %get3A_169 = arith.constant 0 : index
        %get3A_170 = tpu.vector_load %arg9[%get3A, %get3A_169] {strides = array<i32>} : memref<80x128xf32, #tpu.memory_space<vmem>>, vector<1x16xf32>,
        %get3A_171 = vector.shape_cast %get3A_170 : vector<1x16xf32> to vector<16xf32>
        %get3A_172 = arith.index_cast %scan3A_168 : i32 to index
        %get3A_173 = arith.constant 0 : index
        %get3A_174 = tpu.vector_load %arg7[%get3A_172, %get3A_173] {strides = array<i32>} : memref<80x128xf32, #tpu.memory_space<vmem>>, vector<1x16xf32>,
        %get3A_175 = vector.shape_cast %get3A_174 : vector<1x16xf32> to vector<16xf32>
        %sub3A = arith.subf %get3A_171, %get3A_175 : vector<16xf32>
        %swap3A = arith.index_cast %scan3A_168 : i32 to index
        %swap3A_176 = arith.constant 0 : index
        %swap3A_177 = tpu.vector_load %arg9[%swap3A, %swap3A_176] {strides = array<i32>} : memref<80x128xf32, #tpu.memory_space<vmem>>, vector<1x16xf32>,
        %swap3A_178 = vector.shape_cast %swap3A_177 : vector<1x16xf32> to vector<16xf32>
        %swap3A_179 = vector.shape_cast %sub3A : vector<16xf32> to vector<1x16xf32>
        tpu.vector_store %arg9[%swap3A, %swap3A_176], %swap3A_179 {strides = array<i32>} : memref<80x128xf32, #tpu.memory_space<vmem>>, vector<1x16xf32>,
        %get3A_180 = arith.index_cast %scan3A_168 : i32 to index
        %get3A_181 = arith.constant 16 : index
        %get3A_182 = tpu.vector_load %arg9[%get3A_180, %get3A_181] {strides = array<i32>} : memref<80x128xf32, #tpu.memory_space<vmem>>, vector<1x16xf32>,
        %get3A_183 = vector.shape_cast %get3A_182 : vector<1x16xf32> to vector<16xf32>
        %get3A_184 = arith.index_cast %scan3A_168 : i32 to index
        %get3A_185 = arith.constant 16 : index
        %get3A_186 = tpu.vector_load %arg7[%get3A_184, %get3A_185] {strides = array<i32>} : memref<80x128xf32, #tpu.memory_space<vmem>>, vector<1x16xf32>,
        %get3A_187 = vector.shape_cast %get3A_186 : vector<1x16xf32> to vector<16xf32>
        %sub3A_188 = arith.subf %get3A_183, %get3A_187 : vector<16xf32>
        %swap3A_189 = arith.index_cast %scan3A_168 : i32 to index
        %swap3A_190 = arith.constant 16 : index
        %swap3A_191 = tpu.vector_load %arg9[%swap3A_189, %swap3A_190] {strides = array<i32>} : memref<80x128xf32, #tpu.memory_space<vmem>>, vector<1x16xf32>,
        %swap3A_192 = vector.shape_cast %swap3A_191 : vector<1x16xf32> to vector<16xf32>
        %swap3A_193 = vector.shape_cast %sub3A_188 : vector<16xf32> to vector<1x16xf32>
        tpu.vector_store %arg9[%swap3A_189, %swap3A_190], %swap3A_193 {strides = array<i32>} : memref<80x128xf32, #tpu.memory_space<vmem>>, vector<1x16xf32>,
        %get3A_194 = arith.index_cast %scan3A_168 : i32 to index
        %get3A_195 = arith.constant 32 : index
        %get3A_196 = tpu.vector_load %arg9[%get3A_194, %get3A_195] {strides = array<i32>} : memref<80x128xf32, #tpu.memory_space<vmem>>, vector<1x16xf32>,
        %get3A_197 = vector.shape_cast %get3A_196 : vector<1x16xf32> to vector<16xf32>
        %get3A_198 = arith.index_cast %scan3A_168 : i32 to index
        %get3A_199 = arith.constant 32 : index
        %get3A_200 = tpu.vector_load %arg7[%get3A_198, %get3A_199] {strides = array<i32>} : memref<80x128xf32, #tpu.memory_space<vmem>>, vector<1x16xf32>,
        %get3A_201 = vector.shape_cast %get3A_200 : vector<1x16xf32> to vector<16xf32>
        %sub3A_202 = arith.subf %get3A_197, %get3A_201 : vector<16xf32>
        %swap3A_203 = arith.index_cast %scan3A_168 : i32 to index
        %swap3A_204 = arith.constant 32 : index
        %swap3A_205 = tpu.vector_load %arg9[%swap3A_203, %swap3A_204] {strides = array<i32>} : memref<80x128xf32, #tpu.memory_space<vmem>>, vector<1x16xf32>,
        %swap3A_206 = vector.shape_cast %swap3A_205 : vector<1x16xf32> to vector<16xf32>
        %swap3A_207 = vector.shape_cast %sub3A_202 : vector<16xf32> to vector<1x16xf32>
        tpu.vector_store %arg9[%swap3A_203, %swap3A_204], %swap3A_207 {strides = array<i32>} : memref<80x128xf32, #tpu.memory_space<vmem>>, vector<1x16xf32>,
        %get3A_208 = arith.index_cast %scan3A_168 : i32 to index
        %get3A_209 = arith.constant 48 : index
        %get3A_210 = tpu.vector_load %arg9[%get3A_208, %get3A_209] {strides = array<i32>} : memref<80x128xf32, #tpu.memory_space<vmem>>, vector<1x16xf32>,
        %get3A_211 = vector.shape_cast %get3A_210 : vector<1x16xf32> to vector<16xf32>
        %get3A_212 = arith.index_cast %scan3A_168 : i32 to index
        %get3A_213 = arith.constant 48 : index
        %get3A_214 = tpu.vector_load %arg7[%get3A_212, %get3A_213] {strides = array<i32>} : memref<80x128xf32, #tpu.memory_space<vmem>>, vector<1x16xf32>,
        %get3A_215 = vector.shape_cast %get3A_214 : vector<1x16xf32> to vector<16xf32>
        %sub3A_216 = arith.subf %get3A_211, %get3A_215 : vector<16xf32>
        %swap3A_217 = arith.index_cast %scan3A_168 : i32 to index
        %swap3A_218 = arith.constant 48 : index
        %swap3A_219 = tpu.vector_load %arg9[%swap3A_217, %swap3A_218] {strides = array<i32>} : memref<80x128xf32, #tpu.memory_space<vmem>>, vector<1x16xf32>,
        %swap3A_220 = vector.shape_cast %swap3A_219 : vector<1x16xf32> to vector<16xf32>
        %swap3A_221 = vector.shape_cast %sub3A_216 : vector<16xf32> to vector<1x16xf32>
        tpu.vector_store %arg9[%swap3A_217, %swap3A_218], %swap3A_221 {strides = array<i32>} : memref<80x128xf32, #tpu.memory_space<vmem>>, vector<1x16xf32>,
        %get3A_222 = arith.index_cast %scan3A_168 : i32 to index
        %get3A_223 = arith.constant 64 : index
        %get3A_224 = tpu.vector_load %arg9[%get3A_222, %get3A_223] {strides = array<i32>} : memref<80x128xf32, #tpu.memory_space<vmem>>, vector<1x16xf32>,
        %get3A_225 = vector.shape_cast %get3A_224 : vector<1x16xf32> to vector<16xf32>
        %get3A_226 = arith.index_cast %scan3A_168 : i32 to index
        %get3A_227 = arith.constant 64 : index
        %get3A_228 = tpu.vector_load %arg7[%get3A_226, %get3A_227] {strides = array<i32>} : memref<80x128xf32, #tpu.memory_space<vmem>>, vector<1x16xf32>,
        %get3A_229 = vector.shape_cast %get3A_228 : vector<1x16xf32> to vector<16xf32>
        %sub3A_230 = arith.subf %get3A_225, %get3A_229 : vector<16xf32>
        %swap3A_231 = arith.index_cast %scan3A_168 : i32 to index
        %swap3A_232 = arith.constant 64 : index
        %swap3A_233 = tpu.vector_load %arg9[%swap3A_231, %swap3A_232] {strides = array<i32>} : memref<80x128xf32, #tpu.memory_space<vmem>>, vector<1x16xf32>,
        %swap3A_234 = vector.shape_cast %swap3A_233 : vector<1x16xf32> to vector<16xf32>
        %swap3A_235 = vector.shape_cast %sub3A_230 : vector<16xf32> to vector<1x16xf32>
        tpu.vector_store %arg9[%swap3A_231, %swap3A_232], %swap3A_235 {strides = array<i32>} : memref<80x128xf32, #tpu.memory_space<vmem>>, vector<1x16xf32>,
        %get3A_236 = arith.index_cast %scan3A_168 : i32 to index
        %get3A_237 = arith.constant 80 : index
        %get3A_238 = tpu.vector_load %arg9[%get3A_236, %get3A_237] {strides = array<i32>} : memref<80x128xf32, #tpu.memory_space<vmem>>, vector<1x16xf32>,
        %get3A_239 = vector.shape_cast %get3A_238 : vector<1x16xf32> to vector<16xf32>
        %get3A_240 = arith.index_cast %scan3A_168 : i32 to index
        %get3A_241 = arith.constant 80 : index
        %get3A_242 = tpu.vector_load %arg7[%get3A_240, %get3A_241] {strides = array<i32>} : memref<80x128xf32, #tpu.memory_space<vmem>>, vector<1x16xf32>,
        %get3A_243 = vector.shape_cast %get3A_242 : vector<1x16xf32> to vector<16xf32>
        %sub3A_244 = arith.subf %get3A_239, %get3A_243 : vector<16xf32>
        %swap3A_245 = arith.index_cast %scan3A_168 : i32 to index
        %swap3A_246 = arith.constant 80 : index
        %swap3A_247 = tpu.vector_load %arg9[%swap3A_245, %swap3A_246] {strides = array<i32>} : memref<80x128xf32, #tpu.memory_space<vmem>>, vector<1x16xf32>,
        %swap3A_248 = vector.shape_cast %swap3A_247 : vector<1x16xf32> to vector<16xf32>
        %swap3A_249 = vector.shape_cast %sub3A_244 : vector<16xf32> to vector<1x16xf32>
        tpu.vector_store %arg9[%swap3A_245, %swap3A_246], %swap3A_249 {strides = array<i32>} : memref<80x128xf32, #tpu.memory_space<vmem>>, vector<1x16xf32>,
        %get3A_250 = arith.index_cast %scan3A_168 : i32 to index
        %get3A_251 = arith.constant 96 : index
        %get3A_252 = tpu.vector_load %arg9[%get3A_250, %get3A_251] {strides = array<i32>} : memref<80x128xf32, #tpu.memory_space<vmem>>, vector<1x16xf32>,
        %get3A_253 = vector.shape_cast %get3A_252 : vector<1x16xf32> to vector<16xf32>
        %get3A_254 = arith.index_cast %scan3A_168 : i32 to index
        %get3A_255 = arith.constant 96 : index
        %get3A_256 = tpu.vector_load %arg7[%get3A_254, %get3A_255] {strides = array<i32>} : memref<80x128xf32, #tpu.memory_space<vmem>>, vector<1x16xf32>,
        %get3A_257 = vector.shape_cast %get3A_256 : vector<1x16xf32> to vector<16xf32>
        %sub3A_258 = arith.subf %get3A_253, %get3A_257 : vector<16xf32>
        %swap3A_259 = arith.index_cast %scan3A_168 : i32 to index
        %swap3A_260 = arith.constant 96 : index
        %swap3A_261 = tpu.vector_load %arg9[%swap3A_259, %swap3A_260] {strides = array<i32>} : memref<80x128xf32, #tpu.memory_space<vmem>>, vector<1x16xf32>,
        %swap3A_262 = vector.shape_cast %swap3A_261 : vector<1x16xf32> to vector<16xf32>
        %swap3A_263 = vector.shape_cast %sub3A_258 : vector<16xf32> to vector<1x16xf32>
        tpu.vector_store %arg9[%swap3A_259, %swap3A_260], %swap3A_263 {strides = array<i32>} : memref<80x128xf32, #tpu.memory_space<vmem>>, vector<1x16xf32>,
        %get3A_264 = arith.index_cast %scan3A_168 : i32 to index
        %get3A_265 = arith.constant 112 : index
        %get3A_266 = tpu.vector_load %arg9[%get3A_264, %get3A_265] {strides = array<i32>} : memref<80x128xf32, #tpu.memory_space<vmem>>, vector<1x16xf32>,
        %get3A_267 = vector.shape_cast %get3A_266 : vector<1x16xf32> to vector<16xf32>
        %get3A_268 = arith.index_cast %scan3A_168 : i32 to index
        %get3A_269 = arith.constant 112 : index
        %get3A_270 = tpu.vector_load %arg7[%get3A_268, %get3A_269] {strides = array<i32>} : memref<80x128xf32, #tpu.memory_space<vmem>>, vector<1x16xf32>,
        %get3A_271 = vector.shape_cast %get3A_270 : vector<1x16xf32> to vector<16xf32>
        %sub3A_272 = arith.subf %get3A_267, %get3A_271 : vector<16xf32>
        %swap3A_273 = arith.index_cast %scan3A_168 : i32 to index
        %swap3A_274 = arith.constant 112 : index
        %swap3A_275 = tpu.vector_load %arg9[%swap3A_273, %swap3A_274] {strides = array<i32>} : memref<80x128xf32, #tpu.memory_space<vmem>>, vector<1x16xf32>,
        %swap3A_276 = vector.shape_cast %swap3A_275 : vector<1x16xf32> to vector<16xf32>
        %swap3A_277 = vector.shape_cast %sub3A_272 : vector<16xf32> to vector<1x16xf32>
        tpu.vector_store %arg9[%swap3A_273, %swap3A_274], %swap3A_277 {strides = array<i32>} : memref<80x128xf32, #tpu.memory_space<vmem>>, vector<1x16xf32>,
      }
      %scan3A_158 = arith.constant 80 : i32
      %mul3A_159 = arith.constant 10000 : i32
      %mul3A_160 = arith.muli %add3A, %mul3A_159 : i32
      %mul3A_161 = arith.constant 80 : i32
      %mul3A_162 = arith.muli %add3A_127, %mul3A_161 : i32
      %add3A_163 = arith.addi %mul3A_160, %mul3A_162 : i32
      %dma_start3A_164 = arith.constant 0 : i32
      %dma_start3A_165 = tpu.memref_slice %arg5[%add3A_163, %dma_start3A_164] : memref<320000x128xf32, #tpu.memory_space<hbm>> -> memref<80x128xf32, #tpu.memory_space<hbm>>
      %dma_start3A_166 = arith.constant 0 : i32
      %dma_start3A_167 = tpu.memref_slice %arg5[%add3A_163, %dma_start3A_166] : memref<320000x128xf32, #tpu.memory_space<hbm>> -> memref<80x128xf32, #tpu.memory_space<hbm>>
      tpu.enqueue_dma source(%arg9 : memref<80x128xf32, #tpu.memory_space<vmem>>) target(%dma_start3A_167 : memref<80x128xf32, #tpu.memory_space<hbm>>) target_semaphore(%arg13 : memref<!tpu.dma_semaphore, #tpu.memory_space<semaphore_mem>>)
    }
    %scan3A_65 = arith.constant 62 : i32
    %mul3A_66 = arith.constant 10000 : i32
    %mul3A_67 = arith.muli %add3A, %mul3A_66 : i32
    %add3A_68 = arith.constant 9840 : i32
    %add3A_69 = arith.addi %mul3A_67, %add3A_68 : i32
    %dma_wait3A_70 = arith.constant 0 : i32
    %dma_wait3A_71 = tpu.memref_slice %arg5[%add3A_69, %dma_wait3A_70] : memref<320000x128xf32, #tpu.memory_space<hbm>> -> memref<80x128xf32, #tpu.memory_space<hbm>>
    %dma_wait3A_72 = arith.constant 0 : i32
    %dma_wait3A_73 = tpu.memref_slice %arg5[%add3A_69, %dma_wait3A_72] : memref<320000x128xf32, #tpu.memory_space<hbm>> -> memref<80x128xf32, #tpu.memory_space<hbm>>
    tpu.wait_dma2 semaphore(%arg14 : memref<!tpu.dma_semaphore, #tpu.memory_space<semaphore_mem>>) src(%arg10 : memref<80x128xf32, #tpu.memory_space<vmem>>) dst(%dma_wait3A_73 : memref<80x128xf32, #tpu.memory_space<hbm>>)
    %mul3A_74 = arith.constant 10000 : i32
    %mul3A_75 = arith.muli %add3A, %mul3A_74 : i32
    %add3A_76 = arith.constant 9920 : i32
    %add3A_77 = arith.addi %mul3A_75, %add3A_76 : i32
    %dma_wait3A_78 = arith.constant 0 : i32
    %dma_wait3A_79 = tpu.memref_slice %arg5[%add3A_77, %dma_wait3A_78] : memref<320000x128xf32, #tpu.memory_space<hbm>> -> memref<80x128xf32, #tpu.memory_space<hbm>>
    %dma_wait3A_80 = arith.constant 0 : i32
    %dma_wait3A_81 = tpu.memref_slice %arg5[%add3A_77, %dma_wait3A_80] : memref<320000x128xf32, #tpu.memory_space<hbm>> -> memref<80x128xf32, #tpu.memory_space<hbm>>
    tpu.wait_dma2 semaphore(%arg13 : memref<!tpu.dma_semaphore, #tpu.memory_space<semaphore_mem>>) src(%arg9 : memref<80x128xf32, #tpu.memory_space<vmem>>) dst(%dma_wait3A_81 : memref<80x128xf32, #tpu.memory_space<hbm>>)
    return
  }
}

</mosaic_0001>

<sc_bundles>
// kernel: kernel.11.cloned.1.call-start
scs
__scs_entry_jumppad:
0x0: {  	(pc) =	sbr.rel $0x88, $3  }
0x1: {  	(tag) =	ssettag $0x0;
	lr =	simm.s32 $0x1  }
0x2: {  	[smem:$0x3F9E] =	sst lr;
	_ =	strace $0xD0000000  }
0x3: {  	_ = 	snop  }
0x4: {  	_ = 	snop  }
0x5: {  	_ = 	snop  }
0x6: {  	_ = 	snop  }
0x7: {  	_ = 	snop  }
__scs_overlays_trampoline_lowered:
0x8: {  	[smem:$0x3FAD] =	sst s0  }
0x9: {  	[smem:$0x3FAE] =	sst s1  }
0xa: {  	[smem:$0x3FAF] =	sst s2  }
0xb: {  	[smem:$0x3FB0] =	sst s3  }
0xc: {  	[smem:$0x3FB1] =	sst s4  }
0xd: {  	[smem:$0x3FB2] =	sst s5  }
0xe: {  	[smem:$0x3FB3] =	sst s6  }
0xf: {  	[smem:$0x3FB4] =	sst s7  }
0x10: {  	[smem:$0x3FB5] =	sst s8  }
0x11: {  	[smem:$0x3FB6] =	sst s9;
	s0 =	simm.s32 @!p0 $0x0  }
0x12: {  	s1 =	sld [smem:$0x3F9C];
	s0 =	simm.s32 @p0 $0x1  }
0x13: {  	[smem:$0x3FB7] =	sst s0;
	s0 =	simm.s32 @!p1 $0x0  }
0x14: {  	s2 =	sld [smem:$0x3F9B];
	s0 =	simm.s32 @p1 $0x1  }
0x15: {  	[smem:$0x3FB8] =	sst s0;
	s0 =	simm.s32 @!p2 $0x0  }
0x16: {  	s3 =	sld [smem:$0x3FDB];
	s0 =	simm.s32 @p2 $0x1  }
0x17: {  	s4 =	simm.s32 $0x1BF5;
	[smem:$0x3FBA] =	sst s0  }
0x18: {  	s0 =	sld [smem:$0x3F9D];
	_ =	swait.ge [sflag:s4], $0x0  }
0x19: {  	s7 =	sld [smem:$0x3F9E]  }
0x1a: {  	s8 =	sadd.s32 $0xFFFFE003, lr  }
0x1b: {  	s9 =	sadd.s32 $0xFFFFFEF7, lr;
	s5 =	simm.s32 $0xFFFFFFFF;
	p2 =	slt.u32 s8, $0xFFFFF086  }
0x1c: {  	p1 =	slt.u32 s9, $0xF7A;
	s5 =	simm.s32 @!p2 $0x0  }
0x1d: {  	s5 =	simm.s32 @p1 $0x1;
	p0 =	seq.s32 s7, s2  }
0x1e: {  	s7 =	smul.u32 @!p0 $0xF7A, s2;
	p2 =	seq.s32 @!p0 s5, $0x0  }
0x1f: {  	s9 =	smul.u32 $0xF7A, s1;
	s8 =	simm.s32 @!p0 $0x1BF5;
	p2 =	por !p2, p0  }
0x20: {  	[sflag:s8] =	ssyncset.s32 @!p0 $0xFFFFF086;
	s6 =	sadd.s32 @!p0 s3, s7;
	s7 =	simm.s32 @!p0 $0x108  }
0x21: {  	s3 =	sadd.s32 s3, s9;
	s6 =	sadd.s32 @!p0 $0x88, s6;
	s7 =	simm.s32 @p2 $0x1082  }
0x22: {  	[simem:s7], [sflag:s8] =	dma.local @!p0 [hbm:s6], $0xF7A  }
0x23: {  	s9 =	sor.u32 $0xD0000000, s2;
	s6 =	simm.s32 $0x108;
	_ =	swait.ge @!p0 [sflag:s8], $0x0  }
0x24: {  	s3 =	sadd.s32 $0x88, s3;
	s6 =	simm.s32 @!p1 $0x1082;
	[sflag:s4] =	ssyncset.s32 $0xFFFFF086  }
0x25: {  	[simem:s6], [sflag:s4] =	dma.local [hbm:s3], $0xF7A  }
0x26: {  	[smem:$0x3F9E] =	sst s1;
	(tag) =	ssettag s2;
	_ =	strace s9  }
0x27: {  	s1 =	sld [smem:$0x3FAE]  }
0x28: {  	s2 =	sld [smem:$0x3FAF]  }
0x29: {  	s4 =	sld [smem:$0x3FB1]  }
0x2a: {  	p0 =	seq.s32 s5, $0x0;
	s5 =	sld [smem:$0x3FB2]  }
0x2b: {  	s6 =	sld [smem:$0x3FB3]  }
0x2c: {  	s7 =	sld [smem:$0x3FB4]  }
0x2d: {  	s3 =	simm.s32 $0x108;
	s8 =	sld [smem:$0x3FB5]  }
0x2e: {  	s3 =	simm.s32 @!p0 $0x1082;
	s9 =	sld [smem:$0x3FB6]  }
0x2f: {  	lr =	sadd.s32 s0, s3;
	s0 =	sld [smem:$0x3FAD]  }
0x30: {  	s3 =	sld [smem:$0x3FB0]  }
0x31: {  	[smem:$0x3FB9] =	sst s10  }
0x32: {  	s10 =	sld [smem:$0x3FB7];
	_ =	sdelay $0x3  }
0x33: {  	p0 =	seq.s32 s10, $0x1;
	s10 =	sld [smem:$0x3FB9];
	_ =	sdelay $0x3  }
0x34: {  	[smem:$0x3FB9] =	sst s10  }
0x35: {  	s10 =	sld [smem:$0x3FB8];
	_ =	sdelay $0x3  }
0x36: {  	p1 =	seq.s32 s10, $0x1;
	s10 =	sld [smem:$0x3FB9];
	_ =	sdelay $0x3  }
0x37: {  	[smem:$0x3FB9] =	sst s10  }
0x38: {  	s10 =	sld [smem:$0x3FBA]  }
0x39: {  	_ = 	snop;
	(pc) =	sbr.ind lr, $3  }
0x3a: {  	_ = 	snop  }
0x3b: {  	_ = 	snop  }
0x3c: {  	p2 =	seq.s32 s10, $0x1;
	s10 =	sld [smem:$0x3FB9]  }
0x3d: {  	_ =	shalt  }
0x3e: {  	_ =	shalt  }
0x3f: {  	_ =	shalt  }
0x40: {  	_ =	shalt  }
0x41: {  	_ =	shalt  }
0x42: {  	_ =	shalt  }
0x43: {  	_ =	shalt  }
0x44: {  	_ =	shalt  }
0x45: {  	_ =	shalt  }
0x46: {  	_ =	shalt  }
0x47: {  	_ =	shalt  }
0x48: {  	_ =	shalt  }
0x49: {  	_ =	shalt  }
0x4a: {  	_ =	shalt  }
0x4b: {  	_ =	shalt  }
0x4c: {  	_ =	shalt  }
0x4d: {  	_ =	shalt  }
0x4e: {  	_ =	shalt  }
0x4f: {  	_ =	shalt  }
0x50: {  	_ =	shalt  }
0x51: {  	_ =	shalt  }
0x52: {  	_ =	shalt  }
0x53: {  	_ =	shalt  }
0x54: {  	_ =	shalt  }
0x55: {  	_ =	shalt  }
0x56: {  	_ =	shalt  }
0x57: {  	_ =	shalt  }
0x58: {  	_ =	shalt  }
0x59: {  	_ =	shalt  }
0x5a: {  	_ =	shalt  }
0x5b: {  	_ =	shalt  }
0x5c: {  	_ =	shalt  }
0x5d: {  	_ =	shalt  }
0x5e: {  	_ =	shalt  }
0x5f: {  	_ =	shalt  }
0x60: {  	_ =	shalt  }
0x61: {  	_ =	shalt  }
0x62: {  	_ =	shalt  }
0x63: {  	_ =	shalt  }
0x64: {  	_ =	shalt  }
0x65: {  	_ =	shalt  }
0x66: {  	_ =	shalt  }
0x67: {  	_ =	shalt  }
0x68: {  	_ =	shalt  }
0x69: {  	_ =	shalt  }
0x6a: {  	_ =	shalt  }
0x6b: {  	_ =	shalt  }
0x6c: {  	_ =	shalt  }
0x6d: {  	_ =	shalt  }
0x6e: {  	_ =	shalt  }
0x6f: {  	_ =	shalt  }
0x70: {  	_ =	shalt  }
0x71: {  	_ =	shalt  }
0x72: {  	_ =	shalt  }
0x73: {  	_ =	shalt  }
0x74: {  	_ =	shalt  }
0x75: {  	_ =	shalt  }
0x76: {  	_ =	shalt  }
0x77: {  	_ =	shalt  }
0x78: {  	_ =	shalt  }
0x79: {  	_ =	shalt  }
0x7a: {  	_ =	shalt  }
0x7b: {  	_ =	shalt  }
0x7c: {  	_ =	shalt  }
0x7d: {  	_ =	shalt  }
0x7e: {  	_ =	shalt  }
0x7f: {  	_ =	shalt  }
0x80: {  	_ =	shalt  }
0x81: {  	_ =	shalt  }
0x82: {  	_ =	shalt  }
0x83: {  	_ =	shalt  }
0x84: {  	_ =	shalt  }
0x85: {  	_ =	shalt  }
0x86: {  	_ =	shalt  }
0x87: {  	_ =	shalt  }
.Lfunc_end0:
.L_simem_size_0:
called_computation.2_lowered:
.L_overlay_start_0:
0x88: {  	s2 =	sld [smem:$0x3FD9]  }
0x89: {  	s3 =	sld [smem:$0x3FFE];
	_ =	sdelay $0x1  }
0x8a: {  	s1 =	srdreg.scid  }
0x8b: {  	s0 =	sand.u32 $0x1, s1  }
0x8c: {  	s17 =	sshll.u32 s0, $0xA;
	s2 =	sadd.s32 s3, s2  }
0x8d: {  	s2 =	sadd.s32 s2, s17  }
0x8e: {  	[smem:$0x3FC5] =	sst s2  }
0x8f: {  	_ = 	snop  }
0x90: {  	s2 =	sld [smem:$0x3FC7]  }
0x91: {  	s18 =	sld [smem:$0x3FD0];
	(tm) =	ssettm $0x1  }
0x92: {  	s4 =	sld [smem:$0x3FFB];
	_ =	sdelay $0x3  }
0x93: {  	_ =	strace s4  }
0x94: {  	s4 =	sld [smem:$0x3FFC];
	_ =	sdelay $0x3  }
0x95: {  	_ =	strace s4  }
0x96: {  	s4 =	sld [smem:$0x3FFD];
	_ =	sdelay $0x3  }
0x97: {  	_ =	strace s4  }
0x98: {  	_ =	strace $0x8FFFFFFF  }
0x99: {  	s19 =	sld [smem:$0x3FDB];
	_ =	sdelay $0x1  }
0x9a: {  	s5 =	simm.s32 $_scs_section_size  }
0x9b: {  	s6 =	simm.s32 $_size__tile_overlayer_lowered;
	s7 =	simm.s32 $_tile_overlayer_lowered  }
0x9c: {  	s22 =	simm.s32 $0x1BFF;
	s21 =	sshll.u32 s7, $0x1;
	s4 =	sadd.s32 s5, s19  }
0x9d: {  	s8 =	simm.s32 $0x0;
	s20 =	sshll.u32 s6, $0x1;
	s6 =	sadd.s32 s21, s4  }
0x9e: {  	[timem:s8], [sflag:s22] =	dma.local [hbm:s6], s20  }
0x9f: {  	_ =	swait.ge [sflag:s22], s20  }
0xa0: {  	s5 =	ssub.s32 $0x0, s20;
	[sflag:s22] =	ssyncset.done $0x0  }
0xa1: {  	[sflag:s22] =	ssyncadd.s32 s5;
	_ =	sdelay $0x1  }
0xa2: {  	s23 =	simm.s32 $0x1B8B  }
0xa3: {  	_ =	swait.ge [sflag:s23], $0x1  }
0xa4: {  	[sflag:s23] =	ssyncset.done $0x0  }
0xa5: {  	s25 =	simm.s32 $0x1B8E;
	s24 =	sld [smem:$0x3FFE];
	[sflag:s23] =	ssyncadd.s32 $0xFFFFFFFF  }
0xa6: {  	s26 =	simm.s32 $execute0_lowered;
	[smem:$0x3FD2] =	sst s25  }
0xa7: {  	s6 =	sshll.u32 s26, $0x1;
	_ =	strace $0x8000004C;
	[dreg:$0x1] =	wrdreg $0xFFFFFFFF  }
0xa8: {  	s28 =	simm.s32 $_size_execute0_lowered;
	s4 =	sadd.s32 s4, s6;
	[dreg:$0x0] =	wrdreg $0x0  }
0xa9: {  	s6 =	sshll.u32 s28, $0x1;
	[dreg:$0x2] =	wrdreg s4  }
0xaa: {  	[dreg:$0x3] =	wrdreg s6  }
0xab: {  	[dreg:$0x4] =	wrdreg $0xC0  }
0xac: {  	_ =	task [dreg:s8], $0x5FFFF  }
0xad: {  	[dreg:$0x1] =	wrdreg $0xFFFFFFFF  }
0xae: {  	[dreg:$0x0] =	wrdreg $0x60  }
0xaf: {  	[dreg:$0x2] =	wrdreg s24  }
0xb0: {  	[dreg:$0x3] =	wrdreg s2  }
0xb1: {  	[dreg:$0x4] =	wrdreg s18  }
0xb2: {  	[dreg:$0x5] =	wrdreg $0x9  }
0xb3: {  	_ =	task.clear_ibuf [dreg:s8], $0x6FFFF;
	_ =	strace $0x9000004C  }
0xb4: {  	s29 =	simm.s32 $0x9;
	_ =	strace $0x8000004E  }
0xb5: {  	_ =	swait.ge [sflag:s29], $0x1  }
0xb6: {  	[sflag:s29] =	ssyncadd.s32 $0xFFFFFFFF  }
0xb7: {  	_ =	strace $0x9000004E  }
0xb8: {  	_ =	sfence  }
0xb9: {  	s30 =	sld [smem:$0x0];
	_ =	sdelay $0x2  }
0xba: {  	s31 =	sshll.u32 s1, $0xD;
	s1 =	sshrl.u32 s1, $0x2  }
0xbb: {  	s3 =	sand.u32 $0x4000, s31;
	s1 =	sadd.s32 s1, s30  }
0xbc: {  	s0 =	sor.u32 s3, s0;
	s1 =	sshll.u32 s1, $0x11  }
0xbd: {  	s0 =	sor.u32 s1, s0  }
0xbe: {  	s0 =	sadd.s32 $0x8F2B, s0  }
0xbf: {  	[sflag:s0] =	ssyncadd.remote.s32 $0x1  }
0xc0: {  	_ =	sfence.sel $0xFFFF  }
0xc1: {  	[dreg:$0x0] =	wrdreg $0xFFFFFFFF;
	(pc) =	sbr.abs _section_cstart, $3  }
0xc2: {  	[dreg:$0x1] =	wrdreg $0xFFFFFFFF  }
0xc3: {  	_ =	task.clear_ibuf [dreg:s8], $0x2FFFF;
	_ =	strace $0x9FFFFFFF  }
0xc4: {  	(tm) =	ssettm $0x7FFFFFFF  }
0xc5: {  	_ =	shalt  }
tec
execute0_lowered:
.L_overlay_start_1:
0x0: {  	(tag) =	ssettag $0x1  }
0x1: {  	s5 =	rddreg [dreg:$0x0]  }
0x2: {  	s1 =	rddreg [dreg:$0x1]  }
0x3: {  	s3 =	rddreg [dreg:$0x2];
	s4 =	simm.s32 $0x0  }
0x4: {  	s6 =	srdreg.scid;
	s2 =	stileid.u32;
	s13 =	simm.s32 $0x5  }
0x5: {  	s14 =	simm.s32 $0x4000;
	s15 =	simm.s32 $0x50;
	s16 =	simm.s32 $0x9000  }
0x6: {  	s17 =	simm.s32 $0x1;
	s18 =	simm.s32 $0x6800;
	s19 =	simm.s32 $0x80  }
0x7: {  	s20 =	simm.s32 $0xB800;
	s21 =	simm.s32 $0x2;
	s22 =	simm.s32 $0x3  }
0x8: {  	s23 =	simm.s32 $0x4;
	s6 =	sand.u32 $0x1, s6;
	s7 =	sshll.u32 s2, $0x1  }
0x9: {  	s24 =	simm.s32 $0x0;
	[smem:$0x7FF] =	sst s4;
	s7 =	sor.u32 s6, s7  }
0xa: {  	_ =	strace $0x8000004D;
	s6 =	ssub.s32 $0x2, s6;
	s9 =	smul.u32 $0x138800, s7  }
0xb: {  	s8 =	sshll.u32 s7, $0xB;
	s10 =	sshrl.u32 s6, $0x1;
	s11 =	smul.u32 $0x27100, s7  }
0xc: {  	s8 =	sadd.s32 s8, s5;
	s5 =	sadd.s32 $0x39000, s5;
	s12 =	ssub.s32 s6, s10  }
0xd: {  	s6 =	smul.u32 $0x2710, s7;
	s9 =	sshrl.u32 s9, $0x3;
	s7 =	sadd.s32 $0x1000, s8  }
0xe: {  	s8 =	sadd.s32 s1, s11;
	s10 =	sadd.s32 s3, s11;
	s9 =	sadd.s32 s1, s9  }
0xf: {  	s12 =	smax.u32 s12, $0x1;
	s11 =	sadd.s32 $0x50, s6;
	s9 =	sadd.s32 $0x500, s9  }
.LBB2_1:
0x10: {  	[tilespmem:s4], [sflag:$0x5] =	stream.linear.gather [hbm4b:s7+s4], $0x4000, $0x38;
	[tilespmem:$0xE000] =	vst v63  }
0x11: {  	_ =	swait.ge [sflag:s13], $0x4000  }
0x12: {  	[sflag:s13] =	ssyncset.done $0x0  }
0x13: {  	[sflag:s13] =	ssyncadd.s32 $0xFFFFC000  }
0x14: {  	[tilespmem:s14], [sflag:$0x1] =	stream.linear.gather [hbm4b:s8+s4], $0x2800, $0x38;
	[tilespmem:$0xE000] =	vst v63  }
0x15: {  	_ = 	snop  }
0x16: {  	[tilespmem:s16], [sflag:$0x1] =	stream.indirect.gather [hbm4b:s5+s15], $0x80, s4, s15, $0xb8;
	[tilespmem:$0xE000] =	vst v63  }
0x17: {  	_ =	swait.ge [sflag:s17], $0x2800  }
0x18: {  	[sflag:s17] =	ssyncset.done $0x0  }
0x19: {  	[sflag:s17] =	ssyncadd.s32 $0xFFFFD800  }
0x1a: {  	_ =	swait.ge [sflag:s17], $0x2800  }
0x1b: {  	[sflag:s17] =	ssyncset.done $0x0  }
0x1c: {  	[sflag:s17] =	ssyncadd.s32 $0xFFFFD800  }
0x1d: {  	[tilespmem:s18], [sflag:$0x2] =	stream.linear.gather [hbm4b:s9+s4], $0x2800, $0x38;
	[tilespmem:$0xE000] =	vst v63  }
0x1e: {  	s25 =	simm.s32 $0x0  }
0x1f: {  	[tilespmem:s20], [sflag:$0x2] =	stream.indirect.gather [hbm4b:s5+s15], $0x80, s19, s15, $0xb8;
	[tilespmem:$0xE000] =	vst v63  }
0x20: {  	v7 =	vld [tilespmem:s25+$0x4000]  }
0x21: {  	v11 =	vld [tilespmem:s25+$0x4010]  }
0x22: {  	v5 =	vld [tilespmem:s25+$0x4020]  }
0x23: {  	v4 =	vld [tilespmem:s25+$0x4030]  }
0x24: {  	v3 =	vld [tilespmem:s25+$0x4040]  }
0x25: {  	v2 =	vld [tilespmem:s25+$0x4050]  }
0x26: {  	v1 =	vld [tilespmem:s25+$0x4060]  }
0x27: {  	v0 =	vld [tilespmem:s25+$0x4070]  }
0x28: {  	v12 =	vld [tilespmem:s25+$0x9000]  }
0x29: {  	v13 =	vld [tilespmem:s25+$0x9010]  }
0x2a: {  	v10 =	vld [tilespmem:s25+$0x9020]  }
0x2b: {  	v9 =	vld [tilespmem:s25+$0x9030]  }
0x2c: {  	v8 =	vld [tilespmem:s25+$0x9040]  }
0x2d: {  	v6 =	vld [tilespmem:s25+$0x9050];
	v12 =	vsub.f32 v12, v7  }
0x2e: {  	s26 =	simm.s32 $0x200;
	v11 =	vsub.f32 v13, v11;
	v7 =	vld [tilespmem:s25+$0x9060]  }
.LBB2_2:
0x2f: {  	s28 =	sshra.s32 s26, $0x2;
	p0 =	sne.s32 s26, $0x9E00;
	[tilespmem:s25+$0x9000] =	vst v12;
	v5 =	vsub.f32 v10, v5;
	v10 =	vld [tilespmem:s25+$0x9070]  }
0x30: {  	v12 =	vld [tilespmem:s28+$0x4000];
	[tilespmem:s25+$0x9010] =	vst v11;
	v4 =	vsub.f32 v9, v4  }
0x31: {  	v11 =	vld [tilespmem:s28+$0x4010];
	[tilespmem:s25+$0x9020] =	vst v5;
	v3 =	vsub.f32 v8, v3  }
0x32: {  	v5 =	vld [tilespmem:s28+$0x4020];
	[tilespmem:s25+$0x9030] =	vst v4;
	v2 =	vsub.f32 v6, v2  }
0x33: {  	v4 =	vld [tilespmem:s28+$0x4030];
	[tilespmem:s25+$0x9040] =	vst v3;
	v1 =	vsub.f32 v7, v1  }
0x34: {  	v3 =	vld [tilespmem:s28+$0x4040];
	[tilespmem:s25+$0x9050] =	vst v2;
	v0 =	vsub.f32 v10, v0  }
0x35: {  	v2 =	vld [tilespmem:s28+$0x4050];
	[tilespmem:s25+$0x9060] =	vst v1  }
0x36: {  	v1 =	vld [tilespmem:s28+$0x4060];
	[tilespmem:s25+$0x9070] =	vst v0;
	s25 =	smov.u32 s28  }
0x37: {  	v0 =	vld [tilespmem:s25+$0x4070]  }
0x38: {  	v6 =	vld [tilespmem:s25+$0x9000]  }
0x39: {  	v7 =	vld [tilespmem:s25+$0x9010]  }
.Ltmp0:
0x3a: {  	v10 =	vld [tilespmem:s25+$0x9020];
	(pc) =	sbr.rel @p0 .LBB2_2-.Ltmp0, $4  }
0x3b: {  	v9 =	vld [tilespmem:s25+$0x9030]  }
0x3c: {  	v8 =	vld [tilespmem:s25+$0x9040]  }
0x3d: {  	v12 =	vsub.f32 v6, v12;
	v6 =	vld [tilespmem:s25+$0x9050]  }
0x3e: {  	s26 =	sadd.s32 $0x200, s26;
	v11 =	vsub.f32 v7, v11;
	v7 =	vld [tilespmem:s25+$0x9060]  }
0x3f: {  	[tilespmem:s25+$0x9000] =	vst v12;
	v5 =	vsub.f32 v10, v5;
	v63 =	vld [tilespmem:s25+$0x9070]  }
0x40: {  	[tilespmem:s25+$0x9010] =	vst v11;
	v4 =	vsub.f32 v9, v4  }
0x41: {  	[tilespmem:s25+$0x9020] =	vst v5;
	v3 =	vsub.f32 v8, v3  }
0x42: {  	[tilespmem:s25+$0x9030] =	vst v4;
	v2 =	vsub.f32 v6, v2  }
0x43: {  	[tilespmem:s25+$0x9040] =	vst v3;
	v1 =	vsub.f32 v7, v1  }
0x44: {  	[tilespmem:s25+$0x9050] =	vst v2;
	v0 =	vsub.f32 v63, v0  }
0x45: {  	[tilespmem:s25+$0x9060] =	vst v1  }
0x46: {  	s26 =	simm.s32 $0x0;
	[tilespmem:s25+$0x9070] =	vst v0;
	s25 =	simm.s32 $0x0  }
0x47: {  	[hbm4b:s10+s25] =	stream.linear.scatter [tilespmem:s16], [sflag:$0x3], $0x2800, $0x38;
	[tilespmem:$0xE000] =	vst v63  }
.LBB2_4:
0x48: {  	_ =	swait.ge [sflag:s21], $0x2800  }
0x49: {  	[sflag:s21] =	ssyncset.done $0x0  }
0x4a: {  	s29 =	sshll.u32 s26, $0x1;
	[sflag:s21] =	ssyncadd.s32 $0xFFFFD800  }
0x4b: {  	s30 =	sadd.s32 $0x2, s29;
	_ =	swait.ge [sflag:s21], $0x2800  }
0x4c: {  	s28 =	smul.u32 $0x50, s30;
	[sflag:s21] =	ssyncset.done $0x0  }
0x4d: {  	[sflag:s21] =	ssyncadd.s32 $0xFFFFD800  }
0x4e: {  	s28 =	sadd.s32 s6, s28;
	_ =	swait.ge [sflag:s22], $0x2800  }
0x4f: {  	s28 =	sshll.u32 s28, $0x4;
	[sflag:s22] =	ssyncset.done $0x0  }
0x50: {  	s30 =	sshll.u32 s30, $0x7;
	s31 =	sadd.s32 s1, s28;
	[sflag:s22] =	ssyncadd.s32 $0xFFFFD800  }
0x51: {  	[tilespmem:s14], [sflag:$0x1] =	stream.linear.gather [hbm4b:s31+s25], $0x2800, $0x38;
	[tilespmem:$0xE000] =	vst v63  }
0x52: {  	s30 =	sand.u32 $0x3FFFFF00, s30  }
0x53: {  	[tilespmem:s16], [sflag:$0x1] =	stream.indirect.gather [hbm4b:s5+s15], $0x80, s30, s15, $0xb8;
	[tilespmem:$0xE000] =	vst v63  }
0x54: {  	s30 =	simm.s32 $0x0  }
0x55: {  	v6 =	vld [tilespmem:s30+$0x6800]  }
0x56: {  	v11 =	vld [tilespmem:s30+$0x6810]  }
0x57: {  	v5 =	vld [tilespmem:s30+$0x6820]  }
0x58: {  	v4 =	vld [tilespmem:s30+$0x6830]  }
0x59: {  	v3 =	vld [tilespmem:s30+$0x6840]  }
0x5a: {  	v2 =	vld [tilespmem:s30+$0x6850]  }
0x5b: {  	v1 =	vld [tilespmem:s30+$0x6860]  }
0x5c: {  	v0 =	vld [tilespmem:s30+$0x6870]  }
0x5d: {  	v12 =	vld [tilespmem:s30+$0xB800]  }
0x5e: {  	v13 =	vld [tilespmem:s30+$0xB810]  }
0x5f: {  	v10 =	vld [tilespmem:s30+$0xB820]  }
0x60: {  	v9 =	vld [tilespmem:s30+$0xB830]  }
0x61: {  	v8 =	vld [tilespmem:s30+$0xB840]  }
0x62: {  	v7 =	vld [tilespmem:s30+$0xB850];
	v12 =	vsub.f32 v12, v6  }
0x63: {  	s31 =	simm.s32 $0x200;
	v11 =	vsub.f32 v13, v11;
	v6 =	vld [tilespmem:s30+$0xB860]  }
.LBB2_5:
0x64: {  	s0 =	sshra.s32 s31, $0x2;
	p0 =	sne.s32 s31, $0x9E00;
	[tilespmem:s30+$0xB800] =	vst v12;
	v5 =	vsub.f32 v10, v5;
	v10 =	vld [tilespmem:s30+$0xB870]  }
0x65: {  	v12 =	vld [tilespmem:s0+$0x6800];
	[tilespmem:s30+$0xB810] =	vst v11;
	v4 =	vsub.f32 v9, v4  }
0x66: {  	v11 =	vld [tilespmem:s0+$0x6810];
	[tilespmem:s30+$0xB820] =	vst v5;
	v3 =	vsub.f32 v8, v3  }
0x67: {  	v5 =	vld [tilespmem:s0+$0x6820];
	[tilespmem:s30+$0xB830] =	vst v4;
	v2 =	vsub.f32 v7, v2  }
0x68: {  	v4 =	vld [tilespmem:s0+$0x6830];
	[tilespmem:s30+$0xB840] =	vst v3;
	v1 =	vsub.f32 v6, v1  }
0x69: {  	v3 =	vld [tilespmem:s0+$0x6840];
	[tilespmem:s30+$0xB850] =	vst v2;
	v0 =	vsub.f32 v10, v0  }
0x6a: {  	v2 =	vld [tilespmem:s0+$0x6850];
	[tilespmem:s30+$0xB860] =	vst v1  }
0x6b: {  	v1 =	vld [tilespmem:s0+$0x6860];
	[tilespmem:s30+$0xB870] =	vst v0;
	s30 =	smov.u32 s0  }
0x6c: {  	v0 =	vld [tilespmem:s30+$0x6870]  }
0x6d: {  	v6 =	vld [tilespmem:s30+$0xB800]  }
0x6e: {  	v13 =	vld [tilespmem:s30+$0xB810]  }
.Ltmp1:
0x6f: {  	v10 =	vld [tilespmem:s30+$0xB820];
	(pc) =	sbr.rel @p0 .LBB2_5-.Ltmp1, $4  }
0x70: {  	v9 =	vld [tilespmem:s30+$0xB830]  }
0x71: {  	v8 =	vld [tilespmem:s30+$0xB840]  }
0x72: {  	v12 =	vsub.f32 v6, v12;
	v7 =	vld [tilespmem:s30+$0xB850]  }
0x73: {  	s31 =	sadd.s32 $0x200, s31;
	v11 =	vsub.f32 v13, v11;
	v6 =	vld [tilespmem:s30+$0xB860]  }
0x74: {  	[tilespmem:s30+$0xB800] =	vst v12;
	v5 =	vsub.f32 v10, v5;
	v10 =	vld [tilespmem:s30+$0xB870]  }
0x75: {  	[tilespmem:s30+$0xB810] =	vst v11;
	v4 =	vsub.f32 v9, v4  }
0x76: {  	[tilespmem:s30+$0xB820] =	vst v5;
	v3 =	vsub.f32 v8, v3  }
0x77: {  	s0 =	smul.u32 $0xA0, s26;
	[tilespmem:s30+$0xB830] =	vst v4;
	v2 =	vsub.f32 v7, v2  }
0x78: {  	[tilespmem:s30+$0xB840] =	vst v3;
	v1 =	vsub.f32 v6, v1  }
0x79: {  	s0 =	sadd.s32 s0, s11;
	[tilespmem:s30+$0xB850] =	vst v2;
	v0 =	vsub.f32 v10, v0  }
0x7a: {  	s0 =	sshll.u32 s0, $0x4;
	[tilespmem:s30+$0xB860] =	vst v1  }
0x7b: {  	s0 =	sadd.s32 s3, s0;
	[tilespmem:s30+$0xB870] =	vst v0  }
0x7c: {  	[hbm4b:s0+s4] =	stream.linear.scatter [tilespmem:s20], [sflag:$0x4], $0x2800, $0x38;
	[tilespmem:$0xE000] =	vst v63  }
0x7d: {  	_ =	swait.ge [sflag:s17], $0x2800  }
0x7e: {  	[sflag:s17] =	ssyncset.done $0x0  }
0x7f: {  	[sflag:s17] =	ssyncadd.s32 $0xFFFFD800  }
0x80: {  	p0 =	seq.s32 s26, $0x3D;
	_ =	swait.ge [sflag:s17], $0x2800  }
0x81: {  	s0 =	sadd.s32 @!p0 $0x3, s29;
	[sflag:s17] =	ssyncset.done $0x0  }
0x82: {  	s29 =	simm.s32 @!p0 $0x4;
	s30 =	smul.u32 @!p0 $0x50, s0;
	[sflag:s17] =	ssyncadd.s32 $0xFFFFD800  }
0x83: {  	_ =	swait.ge @!p0 [sflag:s29], $0x2800  }
0x84: {  	s30 =	sadd.s32 @!p0 s6, s30;
	[sflag:s29] =	ssyncset.done @!p0 $0x0  }
0x85: {  	s31 =	simm.s32 @!p0 $0x6800;
	[sflag:s29] =	ssyncadd.s32 @!p0 $0xFFFFD800;
	s29 =	sshll.u32 @!p0 s30, $0x4  }
0x86: {  	s0 =	sshll.u32 @!p0 s0, $0x7;
	s30 =	simm.s32 @!p0 $0x0;
	s29 =	sadd.s32 @!p0 s1, s29  }
0x87: {  	[tilespmem:s31], [sflag:$0x2] =	stream.linear.gather @!p0 [hbm4b:s29+s30], $0x2800, $0x38;
	[tilespmem:$0xE000] =	vst v63  }
0x88: {  	s0 =	sand.u32 @!p0 $0x3FFFFF80, s0;
	s29 =	simm.s32 @!p0 $0x50;
	s30 =	simm.s32 @!p0 $0xB800  }
0x89: {  	[tilespmem:s30], [sflag:$0x2] =	stream.indirect.gather @!p0 [hbm4b:s5+s29], $0x80, s0, s29, $0xb8;
	[tilespmem:$0xE000] =	vst v63  }
0x8a: {  	s29 =	simm.s32 $0x0  }
0x8b: {  	v7 =	vld [tilespmem:s29+$0x4000]  }
0x8c: {  	v11 =	vld [tilespmem:s29+$0x4010]  }
0x8d: {  	v5 =	vld [tilespmem:s29+$0x4020]  }
0x8e: {  	v4 =	vld [tilespmem:s29+$0x4030]  }
0x8f: {  	v3 =	vld [tilespmem:s29+$0x4040]  }
0x90: {  	v2 =	vld [tilespmem:s29+$0x4050]  }
0x91: {  	v1 =	vld [tilespmem:s29+$0x4060]  }
0x92: {  	v0 =	vld [tilespmem:s29+$0x4070]  }
0x93: {  	v12 =	vld [tilespmem:s29+$0x9000]  }
0x94: {  	v13 =	vld [tilespmem:s29+$0x9010]  }
0x95: {  	v10 =	vld [tilespmem:s29+$0x9020]  }
0x96: {  	v9 =	vld [tilespmem:s29+$0x9030]  }
0x97: {  	v8 =	vld [tilespmem:s29+$0x9040]  }
0x98: {  	v6 =	vld [tilespmem:s29+$0x9050];
	v12 =	vsub.f32 v12, v7  }
0x99: {  	s30 =	simm.s32 $0x200;
	v11 =	vsub.f32 v13, v11;
	v7 =	vld [tilespmem:s29+$0x9060]  }
.LBB2_7:
0x9a: {  	s0 =	sshra.s32 s30, $0x2;
	p0 =	sne.s32 s30, $0x9E00;
	[tilespmem:s29+$0x9000] =	vst v12;
	v5 =	vsub.f32 v10, v5;
	v10 =	vld [tilespmem:s29+$0x9070]  }
0x9b: {  	v12 =	vld [tilespmem:s0+$0x4000];
	[tilespmem:s29+$0x9010] =	vst v11;
	v4 =	vsub.f32 v9, v4  }
0x9c: {  	v11 =	vld [tilespmem:s0+$0x4010];
	[tilespmem:s29+$0x9020] =	vst v5;
	v3 =	vsub.f32 v8, v3  }
0x9d: {  	v5 =	vld [tilespmem:s0+$0x4020];
	[tilespmem:s29+$0x9030] =	vst v4;
	v2 =	vsub.f32 v6, v2  }
0x9e: {  	v4 =	vld [tilespmem:s0+$0x4030];
	[tilespmem:s29+$0x9040] =	vst v3;
	v1 =	vsub.f32 v7, v1  }
0x9f: {  	v3 =	vld [tilespmem:s0+$0x4040];
	[tilespmem:s29+$0x9050] =	vst v2;
	v0 =	vsub.f32 v10, v0  }
0xa0: {  	v2 =	vld [tilespmem:s0+$0x4050];
	[tilespmem:s29+$0x9060] =	vst v1  }
0xa1: {  	v1 =	vld [tilespmem:s0+$0x4060];
	[tilespmem:s29+$0x9070] =	vst v0;
	s29 =	smov.u32 s0  }
0xa2: {  	v0 =	vld [tilespmem:s29+$0x4070]  }
0xa3: {  	v6 =	vld [tilespmem:s29+$0x9000]  }
0xa4: {  	v7 =	vld [tilespmem:s29+$0x9010]  }
.Ltmp2:
0xa5: {  	v10 =	vld [tilespmem:s29+$0x9020];
	(pc) =	sbr.rel @p0 .LBB2_7-.Ltmp2, $4  }
0xa6: {  	v9 =	vld [tilespmem:s29+$0x9030]  }
0xa7: {  	v8 =	vld [tilespmem:s29+$0x9040]  }
0xa8: {  	v12 =	vsub.f32 v6, v12;
	v6 =	vld [tilespmem:s29+$0x9050]  }
0xa9: {  	s30 =	sadd.s32 $0x200, s30;
	v11 =	vsub.f32 v7, v11;
	v7 =	vld [tilespmem:s29+$0x9060]  }
0xaa: {  	[tilespmem:s29+$0x9000] =	vst v12;
	v5 =	vsub.f32 v10, v5;
	v63 =	vld [tilespmem:s29+$0x9070]  }
0xab: {  	[tilespmem:s29+$0x9010] =	vst v11;
	v4 =	vsub.f32 v9, v4  }
0xac: {  	s26 =	sadd.s32 $0x1, s26;
	[tilespmem:s29+$0x9020] =	vst v5;
	v3 =	vsub.f32 v8, v3  }
0xad: {  	p0 =	sne.s32 s26, $0x3E;
	[tilespmem:s29+$0x9030] =	vst v4;
	v2 =	vsub.f32 v6, v2  }
.Ltmp3:
0xae: {  	[tilespmem:s29+$0x9040] =	vst v3;
	v1 =	vsub.f32 v7, v1;
	(pc) =	sbr.rel @p0 .LBB2_4-.Ltmp3, $4  }
0xaf: {  	[tilespmem:s29+$0x9050] =	vst v2;
	v0 =	vsub.f32 v63, v0  }
0xb0: {  	[tilespmem:s29+$0x9060] =	vst v1  }
0xb1: {  	s0 =	sadd.s32 s3, s28;
	[tilespmem:s29+$0x9070] =	vst v0  }
0xb2: {  	[hbm4b:s0+s4] =	stream.linear.scatter [tilespmem:s16], [sflag:$0x3], $0x2800, $0x38;
	[tilespmem:$0xE000] =	vst v63  }
0xb3: {  	s24 =	sadd.s32 $0x1, s24  }
0xb4: {  	_ =	swait.ge [sflag:s23], $0x2800;
	p0 =	sne.s32 s24, s12  }
.Ltmp4:
0xb5: {  	[sflag:s23] =	ssyncset.done $0x0;
	(pc) =	sbr.rel @p0 .LBB2_1-.Ltmp4, $4  }
0xb6: {  	[sflag:s23] =	ssyncadd.s32 $0xFFFFD800  }
0xb7: {  	_ =	swait.ge [sflag:s22], $0x2800  }
0xb8: {  	[sflag:s22] =	ssyncset.done $0x0  }
0xb9: {  	[sflag:s22] =	ssyncadd.s32 $0xFFFFD800  }
0xba: {  	_ =	sfence.sel $0x180000  }
0xbb: {  	[bflag:$0x0] =	sbarrier.arrive $0xFFFF  }
0xbc: {  	_ =	strace $0x9000004D  }
0xbd: {  	[bflag:$0x2] =	sbarrier.arrive $0xFFFF  }
0xbe: {  	p0 =	sne.s32 s2, $0x0;
	s0 =	rddreg [dreg:$0x3]  }
0xbf: {  	s0 =	sadd.s32 @!p0 $0x100000, s0  }
0xc0: {  	[sflag:s0] =	ssyncadd.tile.s32 @!p0 $0x1;
	_ =	shalt  }
.Lfunc_end2:
_tile_overlayer_lowered:
.L_overlay_start_2:
0xc1: {  	(tag) =	ssettag $0x2  }
0xc2: {  	s0 =	rddreg [dreg:$0x0];
	s2 =	stileid.u32  }
0xc3: {  	s1 =	rddreg [dreg:$0x1];
	p0 =	sne.s32 s2, $0x0  }
0xc4: {  	s3 =	rddreg [dreg:$0x2];
	[bflag:$0x3] =	sbarrier.arrive $0xFFFF;
	s2 =	simm.s32 @!p0 $0x1C05  }
0xc5: {  	[timem:s3], [sflag:s2] =	dma.local @!p0 [hbm:s0], s1  }
0xc6: {  	s0 =	simm.s32 @!p0 $0x5  }
0xc7: {  	_ =	swait.ge @!p0 [sflag:s0], s1  }
0xc8: {  	s1 =	ssub.s32 @!p0 $0x0, s1;
	[sflag:s0] =	ssyncset.done @!p0 $0x0  }
0xc9: {  	[sflag:s0] =	ssyncadd.s32 @!p0 s1  }
0xca: {  	[bflag:$0x3] =	sbarrier.arrive $0xFFFF  }
0xcb: {  	_ =	shalt  }

// kernel: kernel.5.cloned.1.call-start
scs
__scs_entry_jumppad:
0x0: {  	(pc) =	sbr.rel $0x88, $3  }
0x1: {  	(tag) =	ssettag $0x0;
	lr =	simm.s32 $0x1  }
0x2: {  	[smem:$0x3F9E] =	sst lr;
	_ =	strace $0xD0000000  }
0x3: {  	_ = 	snop  }
0x4: {  	_ = 	snop  }
0x5: {  	_ = 	snop  }
0x6: {  	_ = 	snop  }
0x7: {  	_ = 	snop  }
__scs_overlays_trampoline_lowered:
0x8: {  	[smem:$0x3FAD] =	sst s0  }
0x9: {  	[smem:$0x3FAE] =	sst s1  }
0xa: {  	[smem:$0x3FAF] =	sst s2  }
0xb: {  	[smem:$0x3FB0] =	sst s3  }
0xc: {  	[smem:$0x3FB1] =	sst s4  }
0xd: {  	[smem:$0x3FB2] =	sst s5  }
0xe: {  	[smem:$0x3FB3] =	sst s6  }
0xf: {  	[smem:$0x3FB4] =	sst s7  }
0x10: {  	[smem:$0x3FB5] =	sst s8  }
0x11: {  	[smem:$0x3FB6] =	sst s9;
	s0 =	simm.s32 @!p0 $0x0  }
0x12: {  	s1 =	sld [smem:$0x3F9C];
	s0 =	simm.s32 @p0 $0x1  }
0x13: {  	[smem:$0x3FB7] =	sst s0;
	s0 =	simm.s32 @!p1 $0x0  }
0x14: {  	s2 =	sld [smem:$0x3F9B];
	s0 =	simm.s32 @p1 $0x1  }
0x15: {  	[smem:$0x3FB8] =	sst s0;
	s0 =	simm.s32 @!p2 $0x0  }
0x16: {  	s3 =	sld [smem:$0x3FDB];
	s0 =	simm.s32 @p2 $0x1  }
0x17: {  	s4 =	simm.s32 $0x1BF5;
	[smem:$0x3FBA] =	sst s0  }
0x18: {  	s0 =	sld [smem:$0x3F9D];
	_ =	swait.ge [sflag:s4], $0x0  }
0x19: {  	s7 =	sld [smem:$0x3F9E]  }
0x1a: {  	s8 =	sadd.s32 $0xFFFFE003, lr  }
0x1b: {  	s9 =	sadd.s32 $0xFFFFFEF7, lr;
	s5 =	simm.s32 $0xFFFFFFFF;
	p2 =	slt.u32 s8, $0xFFFFF086  }
0x1c: {  	p1 =	slt.u32 s9, $0xF7A;
	s5 =	simm.s32 @!p2 $0x0  }
0x1d: {  	s5 =	simm.s32 @p1 $0x1;
	p0 =	seq.s32 s7, s2  }
0x1e: {  	s7 =	smul.u32 @!p0 $0xF7A, s2;
	p2 =	seq.s32 @!p0 s5, $0x0  }
0x1f: {  	s9 =	smul.u32 $0xF7A, s1;
	s8 =	simm.s32 @!p0 $0x1BF5;
	p2 =	por !p2, p0  }
0x20: {  	[sflag:s8] =	ssyncset.s32 @!p0 $0xFFFFF086;
	s6 =	sadd.s32 @!p0 s3, s7;
	s7 =	simm.s32 @!p0 $0x108  }
0x21: {  	s3 =	sadd.s32 s3, s9;
	s6 =	sadd.s32 @!p0 $0x88, s6;
	s7 =	simm.s32 @p2 $0x1082  }
0x22: {  	[simem:s7], [sflag:s8] =	dma.local @!p0 [hbm:s6], $0xF7A  }
0x23: {  	s9 =	sor.u32 $0xD0000000, s2;
	s6 =	simm.s32 $0x108;
	_ =	swait.ge @!p0 [sflag:s8], $0x0  }
0x24: {  	s3 =	sadd.s32 $0x88, s3;
	s6 =	simm.s32 @!p1 $0x1082;
	[sflag:s4] =	ssyncset.s32 $0xFFFFF086  }
0x25: {  	[simem:s6], [sflag:s4] =	dma.local [hbm:s3], $0xF7A  }
0x26: {  	[smem:$0x3F9E] =	sst s1;
	(tag) =	ssettag s2;
	_ =	strace s9  }
0x27: {  	s1 =	sld [smem:$0x3FAE]  }
0x28: {  	s2 =	sld [smem:$0x3FAF]  }
0x29: {  	s4 =	sld [smem:$0x3FB1]  }
0x2a: {  	p0 =	seq.s32 s5, $0x0;
	s5 =	sld [smem:$0x3FB2]  }
0x2b: {  	s6 =	sld [smem:$0x3FB3]  }
0x2c: {  	s7 =	sld [smem:$0x3FB4]  }
0x2d: {  	s3 =	simm.s32 $0x108;
	s8 =	sld [smem:$0x3FB5]  }
0x2e: {  	s3 =	simm.s32 @!p0 $0x1082;
	s9 =	sld [smem:$0x3FB6]  }
0x2f: {  	lr =	sadd.s32 s0, s3;
	s0 =	sld [smem:$0x3FAD]  }
0x30: {  	s3 =	sld [smem:$0x3FB0]  }
0x31: {  	[smem:$0x3FB9] =	sst s10  }
0x32: {  	s10 =	sld [smem:$0x3FB7];
	_ =	sdelay $0x3  }
0x33: {  	p0 =	seq.s32 s10, $0x1;
	s10 =	sld [smem:$0x3FB9];
	_ =	sdelay $0x3  }
0x34: {  	[smem:$0x3FB9] =	sst s10  }
0x35: {  	s10 =	sld [smem:$0x3FB8];
	_ =	sdelay $0x3  }
0x36: {  	p1 =	seq.s32 s10, $0x1;
	s10 =	sld [smem:$0x3FB9];
	_ =	sdelay $0x3  }
0x37: {  	[smem:$0x3FB9] =	sst s10  }
0x38: {  	s10 =	sld [smem:$0x3FBA]  }
0x39: {  	_ = 	snop;
	(pc) =	sbr.ind lr, $3  }
0x3a: {  	_ = 	snop  }
0x3b: {  	_ = 	snop  }
0x3c: {  	p2 =	seq.s32 s10, $0x1;
	s10 =	sld [smem:$0x3FB9]  }
0x3d: {  	_ =	shalt  }
0x3e: {  	_ =	shalt  }
0x3f: {  	_ =	shalt  }
0x40: {  	_ =	shalt  }
0x41: {  	_ =	shalt  }
0x42: {  	_ =	shalt  }
0x43: {  	_ =	shalt  }
0x44: {  	_ =	shalt  }
0x45: {  	_ =	shalt  }
0x46: {  	_ =	shalt  }
0x47: {  	_ =	shalt  }
0x48: {  	_ =	shalt  }
0x49: {  	_ =	shalt  }
0x4a: {  	_ =	shalt  }
0x4b: {  	_ =	shalt  }
0x4c: {  	_ =	shalt  }
0x4d: {  	_ =	shalt  }
0x4e: {  	_ =	shalt  }
0x4f: {  	_ =	shalt  }
0x50: {  	_ =	shalt  }
0x51: {  	_ =	shalt  }
0x52: {  	_ =	shalt  }
0x53: {  	_ =	shalt  }
0x54: {  	_ =	shalt  }
0x55: {  	_ =	shalt  }
0x56: {  	_ =	shalt  }
0x57: {  	_ =	shalt  }
0x58: {  	_ =	shalt  }
0x59: {  	_ =	shalt  }
0x5a: {  	_ =	shalt  }
0x5b: {  	_ =	shalt  }
0x5c: {  	_ =	shalt  }
0x5d: {  	_ =	shalt  }
0x5e: {  	_ =	shalt  }
0x5f: {  	_ =	shalt  }
0x60: {  	_ =	shalt  }
0x61: {  	_ =	shalt  }
0x62: {  	_ =	shalt  }
0x63: {  	_ =	shalt  }
0x64: {  	_ =	shalt  }
0x65: {  	_ =	shalt  }
0x66: {  	_ =	shalt  }
0x67: {  	_ =	shalt  }
0x68: {  	_ =	shalt  }
0x69: {  	_ =	shalt  }
0x6a: {  	_ =	shalt  }
0x6b: {  	_ =	shalt  }
0x6c: {  	_ =	shalt  }
0x6d: {  	_ =	shalt  }
0x6e: {  	_ =	shalt  }
0x6f: {  	_ =	shalt  }
0x70: {  	_ =	shalt  }
0x71: {  	_ =	shalt  }
0x72: {  	_ =	shalt  }
0x73: {  	_ =	shalt  }
0x74: {  	_ =	shalt  }
0x75: {  	_ =	shalt  }
0x76: {  	_ =	shalt  }
0x77: {  	_ =	shalt  }
0x78: {  	_ =	shalt  }
0x79: {  	_ =	shalt  }
0x7a: {  	_ =	shalt  }
0x7b: {  	_ =	shalt  }
0x7c: {  	_ =	shalt  }
0x7d: {  	_ =	shalt  }
0x7e: {  	_ =	shalt  }
0x7f: {  	_ =	shalt  }
0x80: {  	_ =	shalt  }
0x81: {  	_ =	shalt  }
0x82: {  	_ =	shalt  }
0x83: {  	_ =	shalt  }
0x84: {  	_ =	shalt  }
0x85: {  	_ =	shalt  }
0x86: {  	_ =	shalt  }
0x87: {  	_ =	shalt  }
.Lfunc_end0:
.L_simem_size_0:
called_computation_lowered:
.L_overlay_start_0:
0x88: {  	s2 =	sld [smem:$0x3FD9]  }
0x89: {  	s3 =	sld [smem:$0x3FFE];
	_ =	sdelay $0x1  }
0x8a: {  	s1 =	srdreg.scid  }
0x8b: {  	s0 =	sand.u32 $0x1, s1  }
0x8c: {  	s17 =	sshll.u32 s0, $0xA;
	s2 =	sadd.s32 s3, s2  }
0x8d: {  	s2 =	sadd.s32 s2, s17  }
0x8e: {  	[smem:$0x3FC5] =	sst s2  }
0x8f: {  	_ = 	snop  }
0x90: {  	s2 =	sld [smem:$0x3FC7]  }
0x91: {  	s18 =	sld [smem:$0x3FD0];
	(tm) =	ssettm $0x1  }
0x92: {  	s4 =	sld [smem:$0x3FFB];
	_ =	sdelay $0x3  }
0x93: {  	_ =	strace s4  }
0x94: {  	s4 =	sld [smem:$0x3FFC];
	_ =	sdelay $0x3  }
0x95: {  	_ =	strace s4  }
0x96: {  	s4 =	sld [smem:$0x3FFD];
	_ =	sdelay $0x3  }
0x97: {  	_ =	strace s4  }
0x98: {  	_ =	strace $0x8FFFFFFF  }
0x99: {  	s19 =	sld [smem:$0x3FDB];
	_ =	sdelay $0x1  }
0x9a: {  	s5 =	simm.s32 $_scs_section_size  }
0x9b: {  	s6 =	simm.s32 $_size__tile_overlayer_lowered;
	s7 =	simm.s32 $_tile_overlayer_lowered  }
0x9c: {  	s22 =	simm.s32 $0x1BFF;
	s21 =	sshll.u32 s7, $0x1;
	s4 =	sadd.s32 s5, s19  }
0x9d: {  	s8 =	simm.s32 $0x0;
	s20 =	sshll.u32 s6, $0x1;
	s6 =	sadd.s32 s21, s4  }
0x9e: {  	[timem:s8], [sflag:s22] =	dma.local [hbm:s6], s20  }
0x9f: {  	_ =	swait.ge [sflag:s22], s20  }
0xa0: {  	s5 =	ssub.s32 $0x0, s20;
	[sflag:s22] =	ssyncset.done $0x0  }
0xa1: {  	[sflag:s22] =	ssyncadd.s32 s5;
	_ =	sdelay $0x1  }
0xa2: {  	s23 =	simm.s32 $0x1B8B  }
0xa3: {  	_ =	swait.ge [sflag:s23], $0x1  }
0xa4: {  	[sflag:s23] =	ssyncset.done $0x0  }
0xa5: {  	s25 =	simm.s32 $0x1B8E;
	s24 =	sld [smem:$0x3FFE];
	[sflag:s23] =	ssyncadd.s32 $0xFFFFFFFF  }
0xa6: {  	s26 =	simm.s32 $execute0_lowered;
	[smem:$0x3FD2] =	sst s25  }
0xa7: {  	s6 =	sshll.u32 s26, $0x1;
	_ =	strace $0x80000046;
	[dreg:$0x1] =	wrdreg $0xFFFFFFFF  }
0xa8: {  	s28 =	simm.s32 $_size_execute0_lowered;
	s4 =	sadd.s32 s4, s6;
	[dreg:$0x0] =	wrdreg $0x0  }
0xa9: {  	s6 =	sshll.u32 s28, $0x1;
	[dreg:$0x2] =	wrdreg s4  }
0xaa: {  	[dreg:$0x3] =	wrdreg s6  }
0xab: {  	[dreg:$0x4] =	wrdreg $0xC0  }
0xac: {  	_ =	task [dreg:s8], $0x5FFFF  }
0xad: {  	[dreg:$0x1] =	wrdreg $0xFFFFFFFF  }
0xae: {  	[dreg:$0x0] =	wrdreg $0x60  }
0xaf: {  	[dreg:$0x2] =	wrdreg s24  }
0xb0: {  	[dreg:$0x3] =	wrdreg s2  }
0xb1: {  	[dreg:$0x4] =	wrdreg s18  }
0xb2: {  	[dreg:$0x5] =	wrdreg $0x90000  }
0xb3: {  	[dreg:$0x6] =	wrdreg $0x9  }
0xb4: {  	_ =	task.clear_ibuf [dreg:s8], $0x7FFFF;
	_ =	strace $0x90000046  }
0xb5: {  	s29 =	simm.s32 $0x9;
	_ =	strace $0x80000048  }
0xb6: {  	_ =	swait.ge [sflag:s29], $0x1  }
0xb7: {  	[sflag:s29] =	ssyncadd.s32 $0xFFFFFFFF  }
0xb8: {  	_ =	strace $0x90000048  }
0xb9: {  	_ =	sfence  }
0xba: {  	s30 =	sld [smem:$0x0];
	_ =	sdelay $0x2  }
0xbb: {  	s31 =	sshll.u32 s1, $0xD;
	s1 =	sshrl.u32 s1, $0x2  }
0xbc: {  	s3 =	sand.u32 $0x4000, s31;
	s1 =	sadd.s32 s1, s30  }
0xbd: {  	s0 =	sor.u32 s3, s0;
	s1 =	sshll.u32 s1, $0x11  }
0xbe: {  	s0 =	sor.u32 s1, s0  }
0xbf: {  	s0 =	sadd.s32 $0x8F2B, s0  }
0xc0: {  	[sflag:s0] =	ssyncadd.remote.s32 $0x1  }
0xc1: {  	_ =	sfence.sel $0xFFFF  }
0xc2: {  	[dreg:$0x0] =	wrdreg $0xFFFFFFFF;
	(pc) =	sbr.abs _section_cstart, $3  }
0xc3: {  	[dreg:$0x1] =	wrdreg $0xFFFFFFFF  }
0xc4: {  	_ =	task.clear_ibuf [dreg:s8], $0x2FFFF;
	_ =	strace $0x9FFFFFFF  }
0xc5: {  	(tm) =	ssettm $0x7FFFFFFF  }
tec
execute0_lowered:
.L_overlay_start_1:
0x0: {  	(tag) =	ssettag $0x1  }
0x1: {  	s4 =	rddreg [dreg:$0x0]  }
0x2: {  	s9 =	rddreg [dreg:$0x1]  }
0x3: {  	s8 =	rddreg [dreg:$0x2]  }
0x4: {  	s2 =	rddreg [dreg:$0x3]  }
0x5: {  	s0 =	rddreg [dreg:$0x4]  }
0x6: {  	s3 =	simm.s32 $0x0;
	s5 =	srdreg.scid;
	s1 =	stileid.u32  }
0x7: {  	s16 =	simm.s32 $0x50;
	s17 =	simm.s32 $0x6800;
	s18 =	simm.s32 $0x2  }
0x8: {  	s19 =	simm.s32 $0x80;
	s20 =	simm.s32 $0x3E00;
	s21 =	smul.u32 $0x2800, s1  }
0x9: {  	[smem:$0x7FF] =	sst s3;
	s10 =	sand.u32 $0x1, s5;
	s11 =	smul.u32 $0x50000, s1  }
0xa: {  	s25 =	sshll.u32 s1, $0x1;
	s29 =	sshll.u32 s1, $0x6;
	s15 =	smul.u32 $0x4E200, s1  }
0xb: {  	_ =	strace $0x80000047;
	s5 =	sor.u32 s10, s25;
	s14 =	smul.u32 $0x28000, s10  }
0xc: {  	s7 =	ssub.s32 $0x2, s10;
	s30 =	smul.u32 $0x27100, s10;
	s6 =	sshll.u32 s5, $0xB  }
0xd: {  	s12 =	sshrl.u32 s7, $0x1;
	s26 =	sshrl.u32 s11, $0x2;
	s28 =	smul.u32 $0x27100, s5  }
0xe: {  	s5 =	sor.u32 $0x1C03, s29;
	s31 =	sadd.s32 s15, s9;
	s15 =	simm.s32 $0x1  }
0xf: {  	s6 =	sadd.s32 s6, s4;
	s4 =	sadd.s32 s21, s4;
	s12 =	ssub.s32 s7, s12  }
0x10: {  	s13 =	sadd.s32 s26, s2;
	s22 =	sadd.s32 s8, s14;
	s11 =	sadd.s32 s30, s31  }
0x11: {  	s14 =	simm.s32 $0x4000;
	s4 =	sadd.s32 $0x11000, s4;
	s6 =	sadd.s32 $0x1000, s6  }
0x12: {  	s7 =	sadd.s32 s9, s28;
	s8 =	smax.u32 s12, $0x1;
	s11 =	sadd.s32 $0xF00, s11  }
0x13: {  	s12 =	sshrl.u32 s13, $0x3;
	s13 =	simm.s32 $0x3;
	s21 =	sadd.s32 s21, s22  }
0x14: {  	s22 =	simm.s32 $0x0;
	s9 =	sadd.s32 $0x500, s7;
	s10 =	sadd.s32 $0xA00, s7  }
.LBB2_1:
0x15: {  	[spmem:s12], [sflag:s5] =	dma.local [hbm:s4], $0x2800  }
0x16: {  	_ =	swait.ge [sflag:s13], $0x2800  }
0x17: {  	[sflag:s13] =	ssyncset.done $0x0  }
0x18: {  	[sflag:s13] =	ssyncadd.s32 $0xFFFFD800  }
0x19: {  	[bflag:$0x0] =	sbarrier.arrive $0xFFFF  }
0x1a: {  	[tilespmem:s3], [sflag:$0x3] =	stream.linear.gather [hbm4b:s6+s3], $0x4000, $0x38;
	[tilespmem:$0x1D000] =	vst v63  }
0x1b: {  	_ =	swait.ge [sflag:s13], $0x4000  }
0x1c: {  	[sflag:s13] =	ssyncset.done $0x0  }
0x1d: {  	[sflag:s13] =	ssyncadd.s32 $0xFFFFC000  }
0x1e: {  	[tilespmem:s14], [sflag:$0x1] =	stream.linear.gather [hbm4b:s7+s3], $0x2800, $0x38;
	[tilespmem:$0x1D000] =	vst v63  }
0x1f: {  	_ =	swait.ge [sflag:s15], $0x2800  }
0x20: {  	[sflag:s15] =	ssyncset.done $0x0  }
0x21: {  	[sflag:s15] =	ssyncadd.s32 $0xFFFFD800  }
0x22: {  	[spmem:s2] =	stream.indirect.scatter.add.f32 [tilespmem:s14], [sflag:$0x1], $0x80, s3, s16, $0xb8;
	[tilespmem:$0x1D000] =	vst v63  }
0x23: {  	_ = 	snop  }
0x24: {  	[tilespmem:s17], [sflag:$0x2] =	stream.linear.gather [hbm4b:s9+s3], $0x2800, $0x38;
	[tilespmem:$0x1D000] =	vst v63  }
0x25: {  	_ =	swait.ge [sflag:s18], $0x2800  }
0x26: {  	[sflag:s18] =	ssyncset.done $0x0  }
0x27: {  	[sflag:s18] =	ssyncadd.s32 $0xFFFFD800  }
0x28: {  	[spmem:s2] =	stream.indirect.scatter.add.f32 [tilespmem:s17], [sflag:$0x2], $0x80, s19, s16, $0xb8;
	[tilespmem:$0x1D000] =	vst v63  }
0x29: {  	_ =	swait.ge [sflag:s15], $0x2800  }
0x2a: {  	[sflag:s15] =	ssyncset.done $0x0  }
0x2b: {  	[sflag:s15] =	ssyncadd.s32 $0xFFFFD800  }
0x2c: {  	[tilespmem:s14], [sflag:$0x1] =	stream.linear.gather [hbm4b:s10+s3], $0x2800, $0x38;
	[tilespmem:$0x1D000] =	vst v63  }
0x2d: {  	_ =	swait.ge [sflag:s15], $0x2800  }
0x2e: {  	[sflag:s15] =	ssyncset.done $0x0  }
0x2f: {  	s23 =	simm.s32 $0x100;
	[sflag:s15] =	ssyncadd.s32 $0xFFFFD800  }
0x30: {  	[spmem:s2] =	stream.indirect.scatter.add.f32 [tilespmem:s14], [sflag:$0x1], $0x80, s23, s16, $0xb8;
	[tilespmem:$0x1D000] =	vst v63  }
0x31: {  	_ =	swait.ge [sflag:s18], $0x2800  }
0x32: {  	[sflag:s18] =	ssyncset.done $0x0  }
0x33: {  	[sflag:s18] =	ssyncadd.s32 $0xFFFFD800  }
0x34: {  	[tilespmem:s17], [sflag:$0x2] =	stream.linear.gather [hbm4b:s11+s3], $0x2800, $0x38;
	[tilespmem:$0x1D000] =	vst v63  }
0x35: {  	_ =	swait.ge [sflag:s18], $0x2800  }
0x36: {  	[sflag:s18] =	ssyncset.done $0x0  }
0x37: {  	s31 =	simm.s32 $0x180;
	[sflag:s18] =	ssyncadd.s32 $0xFFFFD800  }
0x38: {  	[spmem:s2] =	stream.indirect.scatter.add.f32 [tilespmem:s17], [sflag:$0x2], $0x80, s31, s16, $0xb8;
	[tilespmem:$0x1D000] =	vst v63  }
0x39: {  	_ =	swait.ge [sflag:s15], $0x2800  }
0x3a: {  	s25 =	sadd.s32 $0x500, s11;
	[sflag:s15] =	ssyncset.done $0x0  }
0x3b: {  	s24 =	sadd.s32 $0xA00, s11;
	s23 =	simm.s32 $0x400;
	[sflag:s15] =	ssyncadd.s32 $0xFFFFD800  }
.LBB2_2:
0x3c: {  	[tilespmem:s14], [sflag:$0x1] =	stream.linear.gather [hbm4b:s25+s3], $0x2800, $0x38;
	[tilespmem:$0x1D000] =	vst v63  }
0x3d: {  	s25 =	smov.u32 s23  }
0x3e: {  	p0 =	sne.s32 s23, $0xF000;
	s23 =	sadd.s32 $0x400, s23;
	_ =	swait.ge [sflag:s15], $0x2800  }
0x3f: {  	s25 =	sshra.s32 s25, $0x2;
	[sflag:s15] =	ssyncset.done $0x0  }
0x40: {  	s26 =	sadd.s32 $0x100, s25;
	[sflag:s15] =	ssyncadd.s32 $0xFFFFD800  }
0x41: {  	[spmem:s2] =	stream.indirect.scatter.add.f32 [tilespmem:s14], [sflag:$0x1], $0x80, s26, s16, $0xb8;
	[tilespmem:$0x1D000] =	vst v63  }
0x42: {  	_ =	swait.ge [sflag:s18], $0x2800  }
0x43: {  	[sflag:s18] =	ssyncset.done $0x0  }
0x44: {  	[sflag:s18] =	ssyncadd.s32 $0xFFFFD800  }
0x45: {  	[tilespmem:s17], [sflag:$0x2] =	stream.linear.gather [hbm4b:s24+s3], $0x2800, $0x38;
	[tilespmem:$0x1D000] =	vst v63  }
0x46: {  	_ =	swait.ge [sflag:s18], $0x2800  }
0x47: {  	[sflag:s18] =	ssyncset.done $0x0  }
.Ltmp0:
0x48: {  	s25 =	sadd.s32 $0x180, s25;
	[sflag:s18] =	ssyncadd.s32 $0xFFFFD800;
	(pc) =	sbr.rel @p0 .LBB2_2-.Ltmp0, $4  }
0x49: {  	[spmem:s2] =	stream.indirect.scatter.add.f32 [tilespmem:s17], [sflag:$0x2], $0x80, s25, s16, $0xb8;
	[tilespmem:$0x1D000] =	vst v63  }
0x4a: {  	_ =	swait.ge [sflag:s15], $0x2800  }
0x4b: {  	[sflag:s15] =	ssyncset.done $0x0  }
0x4c: {  	s25 =	sadd.s32 $0x500, s24;
	s24 =	sadd.s32 $0xA00, s24;
	[sflag:s15] =	ssyncadd.s32 $0xFFFFD800  }
0x4d: {  	[tilespmem:s14], [sflag:$0x1] =	stream.linear.gather [hbm4b:s25+s3], $0x2800, $0x38;
	[tilespmem:$0x1D000] =	vst v63  }
0x4e: {  	_ =	swait.ge [sflag:s15], $0x2800  }
0x4f: {  	[sflag:s15] =	ssyncset.done $0x0  }
0x50: {  	[sflag:s15] =	ssyncadd.s32 $0xFFFFD800  }
0x51: {  	[spmem:s2] =	stream.indirect.scatter.add.f32 [tilespmem:s14], [sflag:$0x3], $0x80, s20, s16, $0xb8;
	[tilespmem:$0x1D000] =	vst v63  }
0x52: {  	_ =	swait.ge [sflag:s13], $0x2800  }
0x53: {  	[sflag:s13] =	ssyncset.done $0x0  }
0x54: {  	[sflag:s13] =	ssyncadd.s32 $0xFFFFD800  }
0x55: {  	_ =	swait.ge [sflag:s18], $0x2800  }
0x56: {  	s22 =	sadd.s32 $0x1, s22;
	[sflag:s18] =	ssyncset.done $0x0  }
0x57: {  	p0 =	sne.s32 s22, s8;
	[sflag:s18] =	ssyncadd.s32 $0xFFFFD800  }
.Ltmp1:
0x58: {  	[bflag:$0x0] =	sbarrier.arrive $0xFFFF;
	(pc) =	sbr.rel @p0 .LBB2_1-.Ltmp1, $4  }
0x59: {  	[hbm:s21], [sflag:s5] =	dma.local [spmem:s12], $0x2800  }
0x5a: {  	_ =	swait.ge [sflag:s13], $0x2800  }
0x5b: {  	[sflag:s13] =	ssyncset.done $0x0  }
0x5c: {  	[sflag:s13] =	ssyncadd.s32 $0xFFFFD800  }
0x5d: {  	_ =	sfence.sel $0x180000  }
0x5e: {  	[bflag:$0x0] =	sbarrier.arrive $0xFFFF  }
0x5f: {  	p0 =	sne.s32 s1, $0x0;
	_ =	strace $0x90000047  }
0x60: {  	s0 =	sadd.s32 @!p0 $0x100000, s0;
	[bflag:$0x2] =	sbarrier.arrive $0xFFFF  }
0x61: {  	[sflag:s0] =	ssyncadd.tile.s32 @!p0 $0x1;
	_ =	shalt  }
.Lfunc_end2:
_tile_overlayer_lowered:
.L_overlay_start_2:
0x62: {  	(tag) =	ssettag $0x2  }
0x63: {  	s0 =	rddreg [dreg:$0x0];
	s2 =	stileid.u32  }
0x64: {  	s1 =	rddreg [dreg:$0x1];
	p0 =	sne.s32 s2, $0x0  }
0x65: {  	s3 =	rddreg [dreg:$0x2];
	[bflag:$0x3] =	sbarrier.arrive $0xFFFF;
	s2 =	simm.s32 @!p0 $0x1C03  }
0x66: {  	[timem:s3], [sflag:s2] =	dma.local @!p0 [hbm:s0], s1  }
0x67: {  	s0 =	simm.s32 @!p0 $0x3  }
0x68: {  	_ =	swait.ge @!p0 [sflag:s0], s1  }
0x69: {  	s1 =	ssub.s32 @!p0 $0x0, s1;
	[sflag:s0] =	ssyncset.done @!p0 $0x0  }
0x6a: {  	[sflag:s0] =	ssyncadd.s32 @!p0 s1  }
0x6b: {  	[bflag:$0x3] =	sbarrier.arrive $0xFFFF  }
0x6c: {  	_ =	shalt  }

// kernel: kernel.8.cloned.1.call-start
scs
__scs_entry_jumppad:
0x0: {  	(pc) =	sbr.rel $0x88, $3  }
0x1: {  	(tag) =	ssettag $0x0;
	lr =	simm.s32 $0x1  }
0x2: {  	[smem:$0x3F9E] =	sst lr;
	_ =	strace $0xD0000000  }
0x3: {  	_ = 	snop  }
0x4: {  	_ = 	snop  }
0x5: {  	_ = 	snop  }
0x6: {  	_ = 	snop  }
0x7: {  	_ = 	snop  }
__scs_overlays_trampoline_lowered:
0x8: {  	[smem:$0x3FAD] =	sst s0  }
0x9: {  	[smem:$0x3FAE] =	sst s1  }
0xa: {  	[smem:$0x3FAF] =	sst s2  }
0xb: {  	[smem:$0x3FB0] =	sst s3  }
0xc: {  	[smem:$0x3FB1] =	sst s4  }
0xd: {  	[smem:$0x3FB2] =	sst s5  }
0xe: {  	[smem:$0x3FB3] =	sst s6  }
0xf: {  	[smem:$0x3FB4] =	sst s7  }
0x10: {  	[smem:$0x3FB5] =	sst s8  }
0x11: {  	[smem:$0x3FB6] =	sst s9;
	s0 =	simm.s32 @!p0 $0x0  }
0x12: {  	s1 =	sld [smem:$0x3F9C];
	s0 =	simm.s32 @p0 $0x1  }
0x13: {  	[smem:$0x3FB7] =	sst s0;
	s0 =	simm.s32 @!p1 $0x0  }
0x14: {  	s2 =	sld [smem:$0x3F9B];
	s0 =	simm.s32 @p1 $0x1  }
0x15: {  	[smem:$0x3FB8] =	sst s0;
	s0 =	simm.s32 @!p2 $0x0  }
0x16: {  	s3 =	sld [smem:$0x3FDB];
	s0 =	simm.s32 @p2 $0x1  }
0x17: {  	s4 =	simm.s32 $0x1BF5;
	[smem:$0x3FBA] =	sst s0  }
0x18: {  	s0 =	sld [smem:$0x3F9D];
	_ =	swait.ge [sflag:s4], $0x0  }
0x19: {  	s7 =	sld [smem:$0x3F9E]  }
0x1a: {  	s8 =	sadd.s32 $0xFFFFE003, lr  }
0x1b: {  	s9 =	sadd.s32 $0xFFFFFEF7, lr;
	s5 =	simm.s32 $0xFFFFFFFF;
	p2 =	slt.u32 s8, $0xFFFFF086  }
0x1c: {  	p1 =	slt.u32 s9, $0xF7A;
	s5 =	simm.s32 @!p2 $0x0  }
0x1d: {  	s5 =	simm.s32 @p1 $0x1;
	p0 =	seq.s32 s7, s2  }
0x1e: {  	s7 =	smul.u32 @!p0 $0xF7A, s2;
	p2 =	seq.s32 @!p0 s5, $0x0  }
0x1f: {  	s9 =	smul.u32 $0xF7A, s1;
	s8 =	simm.s32 @!p0 $0x1BF5;
	p2 =	por !p2, p0  }
0x20: {  	[sflag:s8] =	ssyncset.s32 @!p0 $0xFFFFF086;
	s6 =	sadd.s32 @!p0 s3, s7;
	s7 =	simm.s32 @!p0 $0x108  }
0x21: {  	s3 =	sadd.s32 s3, s9;
	s6 =	sadd.s32 @!p0 $0x88, s6;
	s7 =	simm.s32 @p2 $0x1082  }
0x22: {  	[simem:s7], [sflag:s8] =	dma.local @!p0 [hbm:s6], $0xF7A  }
0x23: {  	s9 =	sor.u32 $0xD0000000, s2;
	s6 =	simm.s32 $0x108;
	_ =	swait.ge @!p0 [sflag:s8], $0x0  }
0x24: {  	s3 =	sadd.s32 $0x88, s3;
	s6 =	simm.s32 @!p1 $0x1082;
	[sflag:s4] =	ssyncset.s32 $0xFFFFF086  }
0x25: {  	[simem:s6], [sflag:s4] =	dma.local [hbm:s3], $0xF7A  }
0x26: {  	[smem:$0x3F9E] =	sst s1;
	(tag) =	ssettag s2;
	_ =	strace s9  }
0x27: {  	s1 =	sld [smem:$0x3FAE]  }
0x28: {  	s2 =	sld [smem:$0x3FAF]  }
0x29: {  	s4 =	sld [smem:$0x3FB1]  }
0x2a: {  	p0 =	seq.s32 s5, $0x0;
	s5 =	sld [smem:$0x3FB2]  }
0x2b: {  	s6 =	sld [smem:$0x3FB3]  }
0x2c: {  	s7 =	sld [smem:$0x3FB4]  }
0x2d: {  	s3 =	simm.s32 $0x108;
	s8 =	sld [smem:$0x3FB5]  }
0x2e: {  	s3 =	simm.s32 @!p0 $0x1082;
	s9 =	sld [smem:$0x3FB6]  }
0x2f: {  	lr =	sadd.s32 s0, s3;
	s0 =	sld [smem:$0x3FAD]  }
0x30: {  	s3 =	sld [smem:$0x3FB0]  }
0x31: {  	[smem:$0x3FB9] =	sst s10  }
0x32: {  	s10 =	sld [smem:$0x3FB7];
	_ =	sdelay $0x3  }
0x33: {  	p0 =	seq.s32 s10, $0x1;
	s10 =	sld [smem:$0x3FB9];
	_ =	sdelay $0x3  }
0x34: {  	[smem:$0x3FB9] =	sst s10  }
0x35: {  	s10 =	sld [smem:$0x3FB8];
	_ =	sdelay $0x3  }
0x36: {  	p1 =	seq.s32 s10, $0x1;
	s10 =	sld [smem:$0x3FB9];
	_ =	sdelay $0x3  }
0x37: {  	[smem:$0x3FB9] =	sst s10  }
0x38: {  	s10 =	sld [smem:$0x3FBA]  }
0x39: {  	_ = 	snop;
	(pc) =	sbr.ind lr, $3  }
0x3a: {  	_ = 	snop  }
0x3b: {  	_ = 	snop  }
0x3c: {  	p2 =	seq.s32 s10, $0x1;
	s10 =	sld [smem:$0x3FB9]  }
0x3d: {  	_ =	shalt  }
0x3e: {  	_ =	shalt  }
0x3f: {  	_ =	shalt  }
0x40: {  	_ =	shalt  }
0x41: {  	_ =	shalt  }
0x42: {  	_ =	shalt  }
0x43: {  	_ =	shalt  }
0x44: {  	_ =	shalt  }
0x45: {  	_ =	shalt  }
0x46: {  	_ =	shalt  }
0x47: {  	_ =	shalt  }
0x48: {  	_ =	shalt  }
0x49: {  	_ =	shalt  }
0x4a: {  	_ =	shalt  }
0x4b: {  	_ =	shalt  }
0x4c: {  	_ =	shalt  }
0x4d: {  	_ =	shalt  }
0x4e: {  	_ =	shalt  }
0x4f: {  	_ =	shalt  }
0x50: {  	_ =	shalt  }
0x51: {  	_ =	shalt  }
0x52: {  	_ =	shalt  }
0x53: {  	_ =	shalt  }
0x54: {  	_ =	shalt  }
0x55: {  	_ =	shalt  }
0x56: {  	_ =	shalt  }
0x57: {  	_ =	shalt  }
0x58: {  	_ =	shalt  }
0x59: {  	_ =	shalt  }
0x5a: {  	_ =	shalt  }
0x5b: {  	_ =	shalt  }
0x5c: {  	_ =	shalt  }
0x5d: {  	_ =	shalt  }
0x5e: {  	_ =	shalt  }
0x5f: {  	_ =	shalt  }
0x60: {  	_ =	shalt  }
0x61: {  	_ =	shalt  }
0x62: {  	_ =	shalt  }
0x63: {  	_ =	shalt  }
0x64: {  	_ =	shalt  }
0x65: {  	_ =	shalt  }
0x66: {  	_ =	shalt  }
0x67: {  	_ =	shalt  }
0x68: {  	_ =	shalt  }
0x69: {  	_ =	shalt  }
0x6a: {  	_ =	shalt  }
0x6b: {  	_ =	shalt  }
0x6c: {  	_ =	shalt  }
0x6d: {  	_ =	shalt  }
0x6e: {  	_ =	shalt  }
0x6f: {  	_ =	shalt  }
0x70: {  	_ =	shalt  }
0x71: {  	_ =	shalt  }
0x72: {  	_ =	shalt  }
0x73: {  	_ =	shalt  }
0x74: {  	_ =	shalt  }
0x75: {  	_ =	shalt  }
0x76: {  	_ =	shalt  }
0x77: {  	_ =	shalt  }
0x78: {  	_ =	shalt  }
0x79: {  	_ =	shalt  }
0x7a: {  	_ =	shalt  }
0x7b: {  	_ =	shalt  }
0x7c: {  	_ =	shalt  }
0x7d: {  	_ =	shalt  }
0x7e: {  	_ =	shalt  }
0x7f: {  	_ =	shalt  }
0x80: {  	_ =	shalt  }
0x81: {  	_ =	shalt  }
0x82: {  	_ =	shalt  }
0x83: {  	_ =	shalt  }
0x84: {  	_ =	shalt  }
0x85: {  	_ =	shalt  }
0x86: {  	_ =	shalt  }
0x87: {  	_ =	shalt  }
.Lfunc_end0:
.L_simem_size_0:
called_computation.1_lowered:
.L_overlay_start_0:
0x88: {  	s2 =	sld [smem:$0x3FD9]  }
0x89: {  	s3 =	sld [smem:$0x3FFE];
	_ =	sdelay $0x1  }
0x8a: {  	s1 =	srdreg.scid  }
0x8b: {  	s0 =	sand.u32 $0x1, s1  }
0x8c: {  	s17 =	sshll.u32 s0, $0xA;
	s2 =	sadd.s32 s3, s2  }
0x8d: {  	s2 =	sadd.s32 s2, s17  }
0x8e: {  	[smem:$0x3FC5] =	sst s2  }
0x8f: {  	_ = 	snop  }
0x90: {  	s2 =	sld [smem:$0x3FD0];
	(tm) =	ssettm $0x1  }
0x91: {  	s18 =	sld [smem:$0x3FFB];
	_ =	sdelay $0x3  }
0x92: {  	_ =	strace s18  }
0x93: {  	s3 =	sld [smem:$0x3FFC];
	_ =	sdelay $0x3  }
0x94: {  	_ =	strace s3  }
0x95: {  	s3 =	sld [smem:$0x3FFD];
	_ =	sdelay $0x3  }
0x96: {  	_ =	strace s3  }
0x97: {  	_ =	strace $0x8FFFFFFF  }
0x98: {  	s19 =	sld [smem:$0x3FDB];
	_ =	sdelay $0x1  }
0x99: {  	s4 =	simm.s32 $_scs_section_size  }
0x9a: {  	s5 =	simm.s32 $_size__tile_overlayer_lowered;
	s6 =	simm.s32 $_tile_overlayer_lowered  }
0x9b: {  	s22 =	simm.s32 $0x1BFF;
	s21 =	sshll.u32 s6, $0x1;
	s3 =	sadd.s32 s4, s19  }
0x9c: {  	s7 =	simm.s32 $0x0;
	s20 =	sshll.u32 s5, $0x1;
	s5 =	sadd.s32 s21, s3  }
0x9d: {  	[timem:s7], [sflag:s22] =	dma.local [hbm:s5], s20  }
0x9e: {  	_ =	swait.ge [sflag:s22], s20  }
0x9f: {  	s4 =	ssub.s32 $0x0, s20;
	[sflag:s22] =	ssyncset.done $0x0  }
0xa0: {  	[sflag:s22] =	ssyncadd.s32 s4;
	_ =	sdelay $0x1  }
0xa1: {  	s23 =	simm.s32 $0x1B8B  }
0xa2: {  	_ =	swait.ge [sflag:s23], $0x1  }
0xa3: {  	[sflag:s23] =	ssyncset.done $0x0  }
0xa4: {  	s25 =	simm.s32 $0x1B8E;
	s24 =	sld [smem:$0x3FFE];
	[sflag:s23] =	ssyncadd.s32 $0xFFFFFFFF  }
0xa5: {  	s26 =	simm.s32 $execute0_lowered;
	[smem:$0x3FD2] =	sst s25  }
0xa6: {  	s5 =	sshll.u32 s26, $0x1;
	_ =	strace $0x80000049;
	[dreg:$0x1] =	wrdreg $0xFFFFFFFF  }
0xa7: {  	s28 =	simm.s32 $_size_execute0_lowered;
	s3 =	sadd.s32 s3, s5;
	[dreg:$0x0] =	wrdreg $0x0  }
0xa8: {  	s5 =	sshll.u32 s28, $0x1;
	[dreg:$0x2] =	wrdreg s3  }
0xa9: {  	[dreg:$0x3] =	wrdreg s5  }
0xaa: {  	[dreg:$0x4] =	wrdreg $0xC0  }
0xab: {  	_ =	task [dreg:s7], $0x5FFFF  }
0xac: {  	[dreg:$0x1] =	wrdreg $0xFFFFFFFF  }
0xad: {  	[dreg:$0x0] =	wrdreg $0x60  }
0xae: {  	[dreg:$0x2] =	wrdreg s2  }
0xaf: {  	[dreg:$0x3] =	wrdreg s24  }
0xb0: {  	[dreg:$0x4] =	wrdreg $0x9  }
0xb1: {  	_ =	task.clear_ibuf [dreg:s7], $0x5FFFF;
	_ =	strace $0x90000049  }
0xb2: {  	s29 =	simm.s32 $0x9;
	_ =	strace $0x8000004B  }
0xb3: {  	_ =	swait.ge [sflag:s29], $0x1  }
0xb4: {  	[sflag:s29] =	ssyncadd.s32 $0xFFFFFFFF  }
0xb5: {  	_ =	strace $0x9000004B  }
0xb6: {  	_ =	sfence  }
0xb7: {  	s30 =	sld [smem:$0x0];
	_ =	sdelay $0x2  }
0xb8: {  	s31 =	sshll.u32 s1, $0xD;
	s1 =	sshrl.u32 s1, $0x2  }
0xb9: {  	s3 =	sand.u32 $0x4000, s31;
	s1 =	sadd.s32 s1, s30  }
0xba: {  	s0 =	sor.u32 s3, s0;
	s1 =	sshll.u32 s1, $0x11  }
0xbb: {  	s0 =	sor.u32 s1, s0  }
0xbc: {  	s0 =	sadd.s32 $0x8F2B, s0  }
0xbd: {  	[sflag:s0] =	ssyncadd.remote.s32 $0x1  }
0xbe: {  	_ =	sfence.sel $0xFFFF  }
0xbf: {  	[dreg:$0x0] =	wrdreg $0xFFFFFFFF;
	(pc) =	sbr.abs _section_cstart, $3  }
0xc0: {  	[dreg:$0x1] =	wrdreg $0xFFFFFFFF  }
0xc1: {  	_ =	task.clear_ibuf [dreg:s7], $0x2FFFF;
	_ =	strace $0x9FFFFFFF  }
0xc2: {  	(tm) =	ssettm $0x7FFFFFFF  }
0xc3: {  	_ =	shalt  }
tec
execute0_lowered:
.L_overlay_start_1:
0x0: {  	(tag) =	ssettag $0x1  }
0x1: {  	s6 =	rddreg [dreg:$0x0]  }
0x2: {  	s3 =	rddreg [dreg:$0x1]  }
0x3: {  	s0 =	rddreg [dreg:$0x2];
	s4 =	srdreg.scid  }
0x4: {  	s1 =	stileid.u32;
	s2 =	simm.s32 $0x0;
	s12 =	simm.s32 $0x5000  }
0x5: {  	s13 =	simm.s32 $0xA000;
	s4 =	sand.u32 $0x1, s4;
	s5 =	sshll.u32 s1, $0x1  }
0x6: {  	[smem:$0x7FF] =	sst s2;
	s8 =	sadd.s32 $0x11000, s3;
	s5 =	sor.u32 s4, s5  }
0x7: {  	s10 =	sadd.s32 $0x39000, s3;
	s4 =	ssub.s32 $0x2, s4;
	s7 =	smul.u32 $0xA000, s5  }
0x8: {  	s14 =	sadd.s32 $0x28000, s6;
	s9 =	sshrl.u32 s4, $0x1;
	s11 =	smul.u32 $0x1400, s5  }
0x9: {  	_ =	strace $0x8000004A;
	s9 =	ssub.s32 s4, s9;
	s31 =	sshrl.u32 s7, $0x3  }
0xa: {  	s3 =	sadd.s32 s6, s11;
	s4 =	sadd.s32 s8, s11;
	s5 =	sadd.s32 s10, s11  }
0xb: {  	s9 =	smax.u32 s9, $0x1;
	s11 =	sadd.s32 s11, s14;
	s15 =	sadd.s32 $0xA00, s31  }
0xc: {  	s6 =	sadd.s32 s6, s15;
	s7 =	sadd.s32 s8, s15;
	s8 =	sadd.s32 s10, s15  }
0xd: {  	s10 =	simm.s32 $0x1;
	s14 =	sadd.s32 s15, s14;
	s15 =	simm.s32 $0x0  }
.LBB2_1:
0xe: {  	[tilespmem:s2], [sflag:$0x1] =	stream.linear.gather [hbm4b:s3+s2], $0x5000, $0x38;
	[tilespmem:$0xF000] =	vst v63  }
0xf: {  	_ =	swait.ge [sflag:s10], $0x5000  }
0x10: {  	[sflag:s10] =	ssyncset.done $0x0  }
0x11: {  	[sflag:s10] =	ssyncadd.s32 $0xFFFFB000  }
0x12: {  	[tilespmem:s12], [sflag:$0x1] =	stream.linear.gather [hbm4b:s11+s2], $0x5000, $0x38;
	[tilespmem:$0xF000] =	vst v63  }
0x13: {  	_ =	swait.ge [sflag:s10], $0x5000  }
0x14: {  	[sflag:s10] =	ssyncset.done $0x0  }
0x15: {  	[sflag:s10] =	ssyncadd.s32 $0xFFFFB000  }
0x16: {  	[tilespmem:s13], [sflag:$0x1] =	stream.linear.gather [hbm4b:s4+s2], $0x5000, $0x38;
	[tilespmem:$0xF000] =	vst v63  }
0x17: {  	_ =	swait.ge [sflag:s10], $0x5000  }
0x18: {  	[sflag:s10] =	ssyncset.done $0x0  }
0x19: {  	s16 =	simm.s32 $0x0;
	[sflag:s10] =	ssyncadd.s32 $0xFFFFB000  }
0x1a: {  	v5 =	vld [tilespmem:s16+$0xA000]  }
0x1b: {  	v4 =	vld [tilespmem:s16+$0xA010]  }
0x1c: {  	v3 =	vld [tilespmem:s16+$0xA020]  }
0x1d: {  	v2 =	vld [tilespmem:s16+$0xA030]  }
0x1e: {  	v1 =	vld [tilespmem:s16+$0xA040]  }
0x1f: {  	v0 =	vld [tilespmem:s16+$0xA050]  }
0x20: {  	v12 =	vld [tilespmem:s16+$0x5000]  }
0x21: {  	v17 =	vld [tilespmem:s16+$0x5010]  }
0x22: {  	v11 =	vld [tilespmem:s16+$0x5020]  }
0x23: {  	v10 =	vld [tilespmem:s16+$0x5030]  }
0x24: {  	v9 =	vld [tilespmem:s16+$0x5040]  }
0x25: {  	v8 =	vld [tilespmem:s16+$0x5050]  }
0x26: {  	v7 =	vld [tilespmem:s16+$0x5060]  }
0x27: {  	v6 =	vld [tilespmem:s16+$0x5070]  }
0x28: {  	v18 =	vld [tilespmem:s16+$0x0]  }
0x29: {  	v19 =	vld [tilespmem:s16+$0x10]  }
0x2a: {  	v16 =	vld [tilespmem:s16+$0x20]  }
0x2b: {  	v15 =	vld [tilespmem:s16+$0x30]  }
0x2c: {  	v14 =	vld [tilespmem:s16+$0x40]  }
0x2d: {  	v13 =	vld [tilespmem:s16+$0x50];
	v18 =	vadd.f32 v12, v18  }
0x2e: {  	s17 =	simm.s32 $0x200;
	v17 =	vadd.f32 v17, v19;
	v12 =	vld [tilespmem:s16+$0x60]  }
.LBB2_2:
0x2f: {  	p0 =	sne.s32 s17, $0x13E00;
	v5 =	vsub.f32 v18, v5;
	v11 =	vadd.f32 v11, v16;
	v16 =	vld [tilespmem:s16+$0x70]  }
0x30: {  	v4 =	vsub.f32 v17, v4;
	v10 =	vadd.f32 v10, v15;
	v15 =	vld [tilespmem:s16+$0xA060]  }
0x31: {  	s18 =	sshra.s32 s17, $0x2;
	[tilespmem:s16+$0x0] =	vst v5;
	v3 =	vsub.f32 v11, v3;
	v9 =	vadd.f32 v9, v14;
	v11 =	vld [tilespmem:s16+$0xA070]  }
0x32: {  	v5 =	vld [tilespmem:s18+$0xA000];
	[tilespmem:s16+$0x10] =	vst v4;
	v2 =	vsub.f32 v10, v2;
	v8 =	vadd.f32 v8, v13  }
0x33: {  	v4 =	vld [tilespmem:s18+$0xA010];
	[tilespmem:s16+$0x20] =	vst v3;
	v1 =	vsub.f32 v9, v1;
	v7 =	vadd.f32 v7, v12  }
0x34: {  	v3 =	vld [tilespmem:s18+$0xA020];
	[tilespmem:s16+$0x30] =	vst v2;
	v0 =	vsub.f32 v8, v0;
	v6 =	vadd.f32 v6, v16  }
0x35: {  	v2 =	vld [tilespmem:s18+$0xA030];
	[tilespmem:s16+$0x40] =	vst v1;
	v7 =	vsub.f32 v7, v15  }
0x36: {  	v1 =	vld [tilespmem:s18+$0xA040];
	[tilespmem:s16+$0x50] =	vst v0;
	v6 =	vsub.f32 v6, v11  }
0x37: {  	v0 =	vld [tilespmem:s18+$0xA050];
	[tilespmem:s16+$0x60] =	vst v7  }
0x38: {  	v12 =	vld [tilespmem:s18+$0x5000];
	[tilespmem:s16+$0x70] =	vst v6;
	s16 =	smov.u32 s18  }
0x39: {  	v17 =	vld [tilespmem:s16+$0x5010]  }
0x3a: {  	v11 =	vld [tilespmem:s16+$0x5020]  }
0x3b: {  	v10 =	vld [tilespmem:s16+$0x5030]  }
0x3c: {  	v9 =	vld [tilespmem:s16+$0x5040]  }
0x3d: {  	v8 =	vld [tilespmem:s16+$0x5050]  }
0x3e: {  	v7 =	vld [tilespmem:s16+$0x5060]  }
0x3f: {  	v6 =	vld [tilespmem:s16+$0x5070]  }
0x40: {  	v13 =	vld [tilespmem:s16+$0x0]  }
0x41: {  	v19 =	vld [tilespmem:s16+$0x10]  }
.Ltmp0:
0x42: {  	v16 =	vld [tilespmem:s16+$0x20];
	(pc) =	sbr.rel @p0 .LBB2_2-.Ltmp0, $4  }
0x43: {  	v15 =	vld [tilespmem:s16+$0x30]  }
0x44: {  	v14 =	vld [tilespmem:s16+$0x40]  }
0x45: {  	v18 =	vadd.f32 v12, v13;
	v13 =	vld [tilespmem:s16+$0x50]  }
0x46: {  	s17 =	sadd.s32 $0x200, s17;
	v17 =	vadd.f32 v17, v19;
	v12 =	vld [tilespmem:s16+$0x60]  }
0x47: {  	v5 =	vsub.f32 v18, v5;
	v18 =	vld [tilespmem:s16+$0x70];
	v11 =	vadd.f32 v11, v16  }
0x48: {  	v16 =	vld [tilespmem:s16+$0xA060];
	v4 =	vsub.f32 v17, v4;
	v10 =	vadd.f32 v10, v15  }
0x49: {  	[tilespmem:s16+$0x0] =	vst v5;
	v3 =	vsub.f32 v11, v3;
	v5 =	vadd.f32 v9, v14;
	v9 =	vld [tilespmem:s16+$0xA070]  }
0x4a: {  	[tilespmem:s16+$0x10] =	vst v4;
	v2 =	vsub.f32 v10, v2;
	v4 =	vadd.f32 v8, v13  }
0x4b: {  	[tilespmem:s16+$0x20] =	vst v3;
	v1 =	vsub.f32 v5, v1;
	v3 =	vadd.f32 v7, v12  }
0x4c: {  	[tilespmem:s16+$0x30] =	vst v2;
	v0 =	vsub.f32 v4, v0;
	v2 =	vadd.f32 v6, v18  }
0x4d: {  	[tilespmem:s16+$0x40] =	vst v1;
	v1 =	vsub.f32 v3, v16  }
0x4e: {  	[tilespmem:s16+$0x50] =	vst v0;
	v0 =	vsub.f32 v2, v9  }
0x4f: {  	[tilespmem:s16+$0x60] =	vst v1  }
0x50: {  	s31 =	simm.s32 $0x0;
	[tilespmem:s16+$0x70] =	vst v0  }
0x51: {  	[hbm4b:s5+s31] =	stream.linear.scatter [tilespmem:s31], [sflag:$0x1], $0x5000, $0x38;
	[tilespmem:$0xF000] =	vst v63  }
0x52: {  	_ =	swait.ge [sflag:s10], $0x5000  }
0x53: {  	[sflag:s10] =	ssyncset.done $0x0  }
0x54: {  	[sflag:s10] =	ssyncadd.s32 $0xFFFFB000  }
0x55: {  	[tilespmem:s31], [sflag:$0x1] =	stream.linear.gather [hbm4b:s6+s31], $0x5000, $0x38;
	[tilespmem:$0xF000] =	vst v63  }
0x56: {  	_ =	swait.ge [sflag:s10], $0x5000  }
0x57: {  	[sflag:s10] =	ssyncset.done $0x0  }
0x58: {  	[sflag:s10] =	ssyncadd.s32 $0xFFFFB000  }
0x59: {  	[tilespmem:s12], [sflag:$0x1] =	stream.linear.gather [hbm4b:s14+s31], $0x5000, $0x38;
	[tilespmem:$0xF000] =	vst v63  }
0x5a: {  	_ =	swait.ge [sflag:s10], $0x5000  }
0x5b: {  	[sflag:s10] =	ssyncset.done $0x0  }
0x5c: {  	[sflag:s10] =	ssyncadd.s32 $0xFFFFB000  }
0x5d: {  	[tilespmem:s13], [sflag:$0x1] =	stream.linear.gather [hbm4b:s7+s31], $0x5000, $0x38;
	[tilespmem:$0xF000] =	vst v63  }
0x5e: {  	_ =	swait.ge [sflag:s10], $0x5000  }
0x5f: {  	[sflag:s10] =	ssyncset.done $0x0  }
0x60: {  	s16 =	simm.s32 $0x0;
	[sflag:s10] =	ssyncadd.s32 $0xFFFFB000  }
0x61: {  	v5 =	vld [tilespmem:s16+$0xA000]  }
0x62: {  	v4 =	vld [tilespmem:s16+$0xA010]  }
0x63: {  	v3 =	vld [tilespmem:s16+$0xA020]  }
0x64: {  	v2 =	vld [tilespmem:s16+$0xA030]  }
0x65: {  	v1 =	vld [tilespmem:s16+$0xA040]  }
0x66: {  	v0 =	vld [tilespmem:s16+$0xA050]  }
0x67: {  	v12 =	vld [tilespmem:s16+$0x5000]  }
0x68: {  	v17 =	vld [tilespmem:s16+$0x5010]  }
0x69: {  	v11 =	vld [tilespmem:s16+$0x5020]  }
0x6a: {  	v10 =	vld [tilespmem:s16+$0x5030]  }
0x6b: {  	v9 =	vld [tilespmem:s16+$0x5040]  }
0x6c: {  	v8 =	vld [tilespmem:s16+$0x5050]  }
0x6d: {  	v7 =	vld [tilespmem:s16+$0x5060]  }
0x6e: {  	v6 =	vld [tilespmem:s16+$0x5070]  }
0x6f: {  	v18 =	vld [tilespmem:s16+$0x0]  }
0x70: {  	v19 =	vld [tilespmem:s16+$0x10]  }
0x71: {  	v16 =	vld [tilespmem:s16+$0x20]  }
0x72: {  	v15 =	vld [tilespmem:s16+$0x30]  }
0x73: {  	v14 =	vld [tilespmem:s16+$0x40]  }
0x74: {  	v13 =	vld [tilespmem:s16+$0x50];
	v18 =	vadd.f32 v12, v18  }
0x75: {  	s17 =	simm.s32 $0x200;
	v17 =	vadd.f32 v17, v19;
	v12 =	vld [tilespmem:s16+$0x60]  }
.LBB2_4:
0x76: {  	p0 =	sne.s32 s17, $0x13E00;
	v5 =	vsub.f32 v18, v5;
	v11 =	vadd.f32 v11, v16;
	v16 =	vld [tilespmem:s16+$0x70]  }
0x77: {  	v4 =	vsub.f32 v17, v4;
	v10 =	vadd.f32 v10, v15;
	v15 =	vld [tilespmem:s16+$0xA060]  }
0x78: {  	s18 =	sshra.s32 s17, $0x2;
	[tilespmem:s16+$0x0] =	vst v5;
	v3 =	vsub.f32 v11, v3;
	v9 =	vadd.f32 v9, v14;
	v11 =	vld [tilespmem:s16+$0xA070]  }
0x79: {  	v5 =	vld [tilespmem:s18+$0xA000];
	[tilespmem:s16+$0x10] =	vst v4;
	v2 =	vsub.f32 v10, v2;
	v8 =	vadd.f32 v8, v13  }
0x7a: {  	v4 =	vld [tilespmem:s18+$0xA010];
	[tilespmem:s16+$0x20] =	vst v3;
	v1 =	vsub.f32 v9, v1;
	v7 =	vadd.f32 v7, v12  }
0x7b: {  	v3 =	vld [tilespmem:s18+$0xA020];
	[tilespmem:s16+$0x30] =	vst v2;
	v0 =	vsub.f32 v8, v0;
	v6 =	vadd.f32 v6, v16  }
0x7c: {  	v2 =	vld [tilespmem:s18+$0xA030];
	[tilespmem:s16+$0x40] =	vst v1;
	v7 =	vsub.f32 v7, v15  }
0x7d: {  	v1 =	vld [tilespmem:s18+$0xA040];
	[tilespmem:s16+$0x50] =	vst v0;
	v6 =	vsub.f32 v6, v11  }
0x7e: {  	v0 =	vld [tilespmem:s18+$0xA050];
	[tilespmem:s16+$0x60] =	vst v7  }
0x7f: {  	v12 =	vld [tilespmem:s18+$0x5000];
	[tilespmem:s16+$0x70] =	vst v6;
	s16 =	smov.u32 s18  }
0x80: {  	v17 =	vld [tilespmem:s16+$0x5010]  }
0x81: {  	v11 =	vld [tilespmem:s16+$0x5020]  }
0x82: {  	v10 =	vld [tilespmem:s16+$0x5030]  }
0x83: {  	v9 =	vld [tilespmem:s16+$0x5040]  }
0x84: {  	v8 =	vld [tilespmem:s16+$0x5050]  }
0x85: {  	v7 =	vld [tilespmem:s16+$0x5060]  }
0x86: {  	v6 =	vld [tilespmem:s16+$0x5070]  }
0x87: {  	v13 =	vld [tilespmem:s16+$0x0]  }
0x88: {  	v19 =	vld [tilespmem:s16+$0x10]  }
.Ltmp1:
0x89: {  	v16 =	vld [tilespmem:s16+$0x20];
	(pc) =	sbr.rel @p0 .LBB2_4-.Ltmp1, $4  }
0x8a: {  	v15 =	vld [tilespmem:s16+$0x30]  }
0x8b: {  	v14 =	vld [tilespmem:s16+$0x40]  }
0x8c: {  	v18 =	vadd.f32 v12, v13;
	v13 =	vld [tilespmem:s16+$0x50]  }
0x8d: {  	s17 =	sadd.s32 $0x200, s17;
	v17 =	vadd.f32 v17, v19;
	v12 =	vld [tilespmem:s16+$0x60]  }
0x8e: {  	v5 =	vsub.f32 v18, v5;
	v55 =	vld [tilespmem:s16+$0x70];
	v11 =	vadd.f32 v11, v16  }
0x8f: {  	v56 =	vld [tilespmem:s16+$0xA060];
	v4 =	vsub.f32 v17, v4;
	v10 =	vadd.f32 v10, v15  }
0x90: {  	v58 =	vld [tilespmem:s16+$0xA070];
	[tilespmem:s16+$0x0] =	vst v5;
	v3 =	vsub.f32 v11, v3;
	v57 =	vadd.f32 v9, v14  }
0x91: {  	[tilespmem:s16+$0x10] =	vst v4;
	v2 =	vsub.f32 v10, v2;
	v59 =	vadd.f32 v8, v13  }
0x92: {  	[tilespmem:s16+$0x20] =	vst v3;
	v1 =	vsub.f32 v57, v1;
	v60 =	vadd.f32 v7, v12  }
0x93: {  	[tilespmem:s16+$0x30] =	vst v2;
	v0 =	vsub.f32 v59, v0;
	v61 =	vadd.f32 v6, v55  }
0x94: {  	[tilespmem:s16+$0x40] =	vst v1;
	v62 =	vsub.f32 v60, v56  }
0x95: {  	s15 =	sadd.s32 $0x1, s15;
	[tilespmem:s16+$0x50] =	vst v0;
	v63 =	vsub.f32 v61, v58  }
0x96: {  	p0 =	sne.s32 s15, s9;
	[tilespmem:s16+$0x60] =	vst v62  }
.Ltmp2:
0x97: {  	[tilespmem:s16+$0x70] =	vst v63;
	(pc) =	sbr.rel @p0 .LBB2_1-.Ltmp2, $4  }
0x98: {  	[hbm4b:s8+s2] =	stream.linear.scatter [tilespmem:s2], [sflag:$0x1], $0x5000, $0x38;
	[tilespmem:$0xF000] =	vst v63  }
0x99: {  	_ =	swait.ge [sflag:s10], $0x5000  }
0x9a: {  	[sflag:s10] =	ssyncset.done $0x0  }
0x9b: {  	[sflag:s10] =	ssyncadd.s32 $0xFFFFB000  }
0x9c: {  	_ =	sfence.sel $0x180000  }
0x9d: {  	[bflag:$0x0] =	sbarrier.arrive $0xFFFF  }
0x9e: {  	p0 =	sne.s32 s1, $0x0;
	_ =	strace $0x9000004A  }
0x9f: {  	s0 =	sadd.s32 @!p0 $0x100000, s0;
	[bflag:$0x2] =	sbarrier.arrive $0xFFFF  }
0xa0: {  	[sflag:s0] =	ssyncadd.tile.s32 @!p0 $0x1;
	_ =	shalt  }
.Lfunc_end2:
_tile_overlayer_lowered:
.L_overlay_start_2:
0xa1: {  	(tag) =	ssettag $0x2  }
0xa2: {  	s0 =	rddreg [dreg:$0x0];
	s2 =	stileid.u32  }
0xa3: {  	s1 =	rddreg [dreg:$0x1];
	p0 =	sne.s32 s2, $0x0  }
0xa4: {  	s3 =	rddreg [dreg:$0x2];
	[bflag:$0x3] =	sbarrier.arrive $0xFFFF;
	s2 =	simm.s32 @!p0 $0x1C01  }
0xa5: {  	[timem:s3], [sflag:s2] =	dma.local @!p0 [hbm:s0], s1  }
0xa6: {  	s0 =	simm.s32 @!p0 $0x1  }
0xa7: {  	_ =	swait.ge @!p0 [sflag:s0], s1  }
0xa8: {  	s1 =	ssub.s32 @!p0 $0x0, s1;
	[sflag:s0] =	ssyncset.done @!p0 $0x0  }
0xa9: {  	[sflag:s0] =	ssyncadd.s32 @!p0 s1  }
0xaa: {  	[bflag:$0x3] =	sbarrier.arrive $0xFFFF  }
0xab: {  	_ =	shalt  }

</sc_bundles>
